<compile_context>
chip_gen: v7x
topology: tpu7x:2x2x1
jax: 0.10.2.dev20260603
libtpu: 0.0.44.dev20260713+nightly
codegen_flags: <defaults>
</compile_context>

<pallas_src>
import functools

import jax
import jax.numpy as jnp
from jax import lax
from jax.experimental import pallas as pl
from jax.experimental.pallas import tpu as pltpu
from jax.experimental.pallas import tpu_sc as plsc

N = 10000
E = 320000
D_IN = 128
HID = 16

NC = 2
NS = 16
NW = NC * NS

N_PAD = 10240
NPT = N_PAD // NS
PR = N_PAD // 8
PRV = N // 8
NCH = 5
EPT = E // NW
CH = EPT // NCH

_mesh = plsc.VectorSubcoreMesh(core_axis_name="c", subcore_axis_name="s")

_sc_params = pltpu.CompilerParams(use_tc_tiling_on_sc=False)

def _zrow():
    return jnp.zeros((16,), jnp.float32)


def _orow():
    return jnp.ones((16,), jnp.float32)


@functools.partial(
    pl.kernel,
    mesh=_mesh,
    compiler_params=_sc_params,
    out_type=jax.ShapeDtypeStruct((NC, N_PAD * HID), jnp.float32),
    scratch_types=[
        pltpu.VMEM((EPT,), jnp.int32),
        pltpu.VMEM((EPT,), jnp.float32),
        pltpu.VMEM((NPT,), jnp.float32),
        pltpu.VMEM((NPT * HID,), jnp.int32),
        pltpu.VMEM((NPT * HID,), jnp.float32),
        pltpu.VMEM_SHARED((N_PAD,), jnp.float32),
        pltpu.SemaphoreType.DMA,
    ],
)
def _sc_degree(ei_hbm, out_hbm, col_v, ones_v, zbuf, idxb, degb, deg_sh, sem):
    c = lax.axis_index("c")
    s = lax.axis_index("s")
    wid = c * NS + s
    noff = s * NPT
    gcp = pltpu.async_copy(ei_hbm.at[1, pl.ds(wid * EPT, EPT)], col_v, sem)

    def fill_z(j, carry):
        for u in range(8):
            zbuf[pl.ds(j * 128 + u * 16, 16)] = _zrow()
        return carry

    lax.fori_loop(0, NPT // 128, fill_z, 0)

    def fill_o(j, carry):
        for u in range(8):
            ones_v[pl.ds(j * 128 + u * 16, 16)] = _orow()
        return carry

    lax.fori_loop(0, EPT // 128, fill_o, 0)
    for r in range(EPT - EPT % 128, EPT, 16):
        ones_v[pl.ds(r, 16)] = _orow()

    def fill_idx(j, carry):
        for u in range(8):
            idxb[pl.ds((j * 8 + u) * 16, 16)] = jnp.full((16,), noff + j * 8 + u,
                                                         jnp.int32)
        return carry

    lax.fori_loop(0, NPT // 8, fill_idx, 0)

    pltpu.sync_copy(zbuf, deg_sh.at[pl.ds(noff, NPT)])
    gcp.wait()
    plsc.subcore_barrier()
    pltpu.sync_copy(ones_v, deg_sh.at[col_v], add=True)
    plsc.subcore_barrier()
    pltpu.async_copy(deg_sh.at[idxb], degb, sem).wait()
    pltpu.sync_copy(degb, out_hbm.at[c, pl.ds(noff * HID, NPT * HID)])


@functools.partial(
    pl.kernel,
    mesh=_mesh,
    compiler_params=_sc_params,
    out_type=jax.ShapeDtypeStruct((NC, N_PAD, HID), jnp.float32),
    scratch_types=[
        pltpu.VMEM((CH,), jnp.int32),
        pltpu.VMEM((CH,), jnp.int32),
        pltpu.VMEM((CH,), jnp.int32),
        pltpu.VMEM((CH,), jnp.int32),
        pltpu.VMEM((CH, HID), jnp.float32),
        pltpu.VMEM((CH, HID), jnp.float32),
        pltpu.VMEM((NPT, HID), jnp.float32),
        pltpu.VMEM_SHARED((N_PAD, HID), jnp.float32),
        pltpu.SemaphoreType.DMA,
        pltpu.SemaphoreType.DMA,
    ],
)
def _sc_agg(s_hbm, ei_hbm, out_hbm,
            row_v0, col_v0, row_v1, col_v1, gb0, gb1, zbuf, agg_sh,
            sem0, sem1):
    c = lax.axis_index("c")
    s = lax.axis_index("s")
    wid = c * NS + s
    noff = s * NPT
    ebase = wid * EPT

    def fill_z(j, carry):
        for u in range(8):
            zbuf[j * 8 + u, :] = _zrow()
        return carry

    lax.fori_loop(0, NPT // 8, fill_z, 0)
    pltpu.sync_copy(zbuf, agg_sh.at[pl.ds(noff, NPT)])
    plsc.subcore_barrier()

    bufs = [(row_v0, col_v0, gb0, sem0), (row_v1, col_v1, gb1, sem1)]

    def load_and_gather(k):
        row_v, col_v, gb, sem = bufs[k % 2]
        off = ebase + k * CH
        pltpu.sync_copy(ei_hbm.at[0, pl.ds(off, CH)], row_v)
        pltpu.sync_copy(ei_hbm.at[1, pl.ds(off, CH)], col_v)
        return pltpu.async_copy(s_hbm.at[row_v], gb, sem)

    g = load_and_gather(0)
    for k in range(NCH):
        if k + 1 < NCH:
            g_next = load_and_gather(k + 1)
        g.wait()
        _, col_v, gb, _ = bufs[k % 2]
        pltpu.sync_copy(gb, agg_sh.at[col_v], add=True)
        if k + 1 < NCH:
            g = g_next

    plsc.subcore_barrier()
    pltpu.sync_copy(agg_sh.at[pl.ds(noff, NPT)], out_hbm.at[c, pl.ds(noff, NPT)])


def _tc1_body(degb_ref, x_ref, w1_ref, s1_ref, dinv_ref):
    dinv = lax.rsqrt(degb_ref[0] + degb_ref[1] + 1.0)
    hp = jnp.dot(x_ref[...], w1_ref[...], preferred_element_type=jnp.float32)
    s1_ref[:PRV, :] = hp * dinv[:PRV, :]
    s1_ref[PRV:, :] = jnp.zeros((PR - PRV, 128), jnp.float32)
    dinv_ref[...] = dinv


def _tc2_body(agg_ref, s1_ref, dinv_ref, b1_ref, w2_ref, s2_ref):
    a = agg_ref[0] + agg_ref[1] + s1_ref[...]
    h = jnp.maximum(a * dinv_ref[...] + b1_ref[...], 0.0)
    s2_ref[...] = jnp.dot(h, w2_ref[...],
                          preferred_element_type=jnp.float32) * dinv_ref[...]


def _tc3_body(agg_ref, s2_ref, dinv_ref, b2_ref, g_ref, out_ref):
    o = (agg_ref[0] + agg_ref[1] + s2_ref[...]) * dinv_ref[...] + b2_ref[...]
    g = g_ref[...]
    mean = jnp.dot(o, g, preferred_element_type=jnp.float32) * (1.0 / HID)
    oc = o - mean
    ssum = jnp.dot(jnp.exp(oc), g, preferred_element_type=jnp.float32)
    out_ref[...] = oc - jnp.log(ssum)


def kernel(x, edge_index, W1, b1, W2, b2):
    degb = _sc_degree(edge_index)
    degb_p = degb.reshape(NC, PR, 128)

    b1t = jnp.tile(b1, 8).reshape(1, 128)
    b2t = jnp.tile(b2, 8).reshape(1, 128)
    w1big = jax.scipy.linalg.block_diag(*([W1] * 8))
    w2big = jax.scipy.linalg.block_diag(*([W2] * 8))
    lane = jnp.arange(128, dtype=jnp.int32)
    gmat = (lane[:, None] // HID == lane[None, :] // HID).astype(jnp.float32)
    x_r = x.reshape(PRV, 8 * D_IN)

    s1p, dinvb = pl.pallas_call(
        _tc1_body,
        out_shape=[
            jax.ShapeDtypeStruct((PR, 128), jnp.float32),
            jax.ShapeDtypeStruct((PR, 128), jnp.float32),
        ],
    )(degb_p, x_r, w1big)

    agg1 = _sc_agg(s1p.reshape(N_PAD, HID), edge_index)

    s2p = pl.pallas_call(
        _tc2_body,
        out_shape=jax.ShapeDtypeStruct((PR, 128), jnp.float32),
    )(agg1.reshape(NC, PR, 128), s1p, dinvb, b1t, w2big)

    agg2 = _sc_agg(s2p.reshape(N_PAD, HID), edge_index)

    out_p = pl.pallas_call(
        _tc3_body,
        out_shape=jax.ShapeDtypeStruct((PR, 128), jnp.float32),
    )(agg2.reshape(NC, PR, 128), s2p, dinvb, b2t, gmat)

    return out_p.reshape(N_PAD, HID)[:N]

# --- scband reference (transcript-rebuilt; emitter-appended) ---
"""Pipeline reference for scband-net-33775622816473 (READ-ONLY COPY).

The authoritative reference and input builder live on the scoring server;
editing this copy changes nothing except your own understanding.
"""

import jax, jax.numpy as jnp
import numpy as np

N = 10000
E = 320000
D_IN = 128
HID = 16
D_OUT = 16


def setup_inputs(seed: int = 0) -> dict:
    key = jax.random.key(seed)
    k1, k2, k3, k4 = jax.random.split(key, 4)
    x = jax.random.normal(k1, (N, D_IN), dtype=jnp.float32)
    edge_index = jax.random.randint(k2, (2, E), 0, N, dtype=jnp.int32)
    W1 = jax.random.normal(k3, (D_IN, HID), dtype=jnp.float32) * (1.0 / np.sqrt(D_IN))
    b1 = jnp.zeros((HID,), dtype=jnp.float32)
    W2 = jax.random.normal(k4, (HID, D_OUT), dtype=jnp.float32) * (1.0 / np.sqrt(HID))
    b2 = jnp.zeros((D_OUT,), dtype=jnp.float32)
    return {"x": x, "edge_index": edge_index, "W1": W1, "b1": b1, "W2": W2, "b2": b2}


def gcn_conv(x, edge_index, W, b):
    # Faithful GCNConv: add self-loops, symmetric deg^{-1/2} normalization,
    # linear transform, gather-scatter message passing, bias.
    n = x.shape[0]
    row = edge_index[0]
    col = edge_index[1]
    loop = jnp.arange(n, dtype=edge_index.dtype)
    row = jnp.concatenate([row, loop])
    col = jnp.concatenate([col, loop])
    h = x @ W
    ones = jnp.ones(col.shape[0], dtype=h.dtype)
    deg = jax.ops.segment_sum(ones, col, num_segments=n)
    dinv = jnp.where(deg > 0, 1.0 / jnp.sqrt(deg), 0.0)
    norm = dinv[row] * dinv[col]
    msg = h[row] * norm[:, None]
    out = jax.ops.segment_sum(msg, col, num_segments=n)
    return out + b


def reference(x, edge_index, W1, b1, W2, b2):
    h = jax.nn.relu(gcn_conv(x, edge_index, W1, b1))
    # F.dropout(training=self.training): identity in deterministic/eval reference
    out = gcn_conv(h, edge_index, W2, b2)
    return jax.nn.log_softmax(out, axis=1)

if __name__ == "__main__":
    import jax
    _d = setup_inputs()
    print(jax.jit(kernel)(*tuple(_d.values())))

</pallas_src>

<mosaic_0001>
#map = affine_map<(d0, d1) -> (0, 0)>
#map1 = affine_map<(d0, d1) -> (0, 0, 0)>
module attributes {stable_mosaic.version = 14 : i64} {
  func.func @_sc_agg(%arg0: i32, %arg1: i32, %arg2: memref<10240x16xf32, #tpu.memory_space<hbm>>, %arg3: memref<2x320000xi32, #tpu.memory_space<hbm>>, %arg4: memref<2x10240x16xf32, #tpu.memory_space<hbm>>, %arg5: memref<2000xi32, #tpu.memory_space<vmem>>, %arg6: memref<2000xi32, #tpu.memory_space<vmem>>, %arg7: memref<2000xi32, #tpu.memory_space<vmem>>, %arg8: memref<2000xi32, #tpu.memory_space<vmem>>, %arg9: memref<2000x16xf32, #tpu.memory_space<vmem>>, %arg10: memref<2000x16xf32, #tpu.memory_space<vmem>>, %arg11: memref<640x16xf32, #tpu.memory_space<vmem>>, %arg12: memref<10240x16xf32, #tpu.memory_space<vmem_shared>>, %arg13: memref<!tpu.dma_semaphore, #tpu.memory_space<semaphore_mem>>, %arg14: memref<!tpu.dma_semaphore, #tpu.memory_space<semaphore_mem>>) attributes {dimension_semantics = [#tpu.dimension_semantics<core_parallel>, #tpu.dimension_semantics<subcore_parallel>], iteration_bounds = array<i64: 2, 16>, scalar_prefetch = 0 : i64, scratch_operands = 10 : i64, tpu.core_type = #tpu.core_type<sc_vector_subcore>, window_params = [{transform_indices = #map}, {transform_indices = #map}, {transform_indices = #map1}]} {
    %mul3A = arith.constant 16 : i32
    %mul3A_0 = arith.muli %arg0, %mul3A : i32
    %add3A = arith.addi %mul3A_0, %arg1 : i32
    %mul3A_1 = arith.constant 640 : i32
    %mul3A_2 = arith.muli %arg1, %mul3A_1 : i32
    %mul3A_3 = arith.constant 10000 : i32
    %mul3A_4 = arith.muli %add3A, %mul3A_3 : i32
    %scan3A = arith.constant 0 : i32
    %scan3A_5 = arith.constant 0 : i32
    %scan3A_6 = arith.constant 80 : i32
    %scan3A_7 = arith.addi %scan3A_5, %scan3A_6 : i32
    %scan3A_8 = arith.constant 1 : i32
    scf.for %scan3A_58 = %scan3A_5 to %scan3A_7 step %scan3A_8  : i32 {
      %broadcast_in_dim3A = arith.constant 0.000000e+00 : f32
      %broadcast_in_dim3A_59 = vector.broadcast %broadcast_in_dim3A : f32 to vector<16xf32>
      %mul3A_60 = arith.constant 8 : i32
      %mul3A_61 = arith.muli %scan3A_58, %mul3A_60 : i32
      %add3A_62 = arith.constant 0 : i32
      %add3A_63 = arith.addi %mul3A_61, %add3A_62 : i32
      %swap3A = arith.index_cast %add3A_63 : i32 to index
      %swap3A_64 = arith.constant 0 : index
      %swap3A_65 = tpu.vector_load %arg11[%swap3A, %swap3A_64] {strides = array<i32>} : memref<640x16xf32, #tpu.memory_space<vmem>>, vector<1x16xf32>,
      %swap3A_66 = vector.shape_cast %swap3A_65 : vector<1x16xf32> to vector<16xf32>
      %swap3A_67 = vector.shape_cast %broadcast_in_dim3A_59 : vector<16xf32> to vector<1x16xf32>
      tpu.vector_store %arg11[%swap3A, %swap3A_64], %swap3A_67 {strides = array<i32>} : memref<640x16xf32, #tpu.memory_space<vmem>>, vector<1x16xf32>,
      %broadcast_in_dim3A_68 = arith.constant 0.000000e+00 : f32
      %broadcast_in_dim3A_69 = vector.broadcast %broadcast_in_dim3A_68 : f32 to vector<16xf32>
      %mul3A_70 = arith.constant 8 : i32
      %mul3A_71 = arith.muli %scan3A_58, %mul3A_70 : i32
      %add3A_72 = arith.constant 1 : i32
      %add3A_73 = arith.addi %mul3A_71, %add3A_72 : i32
      %swap3A_74 = arith.index_cast %add3A_73 : i32 to index
      %swap3A_75 = arith.constant 0 : index
      %swap3A_76 = tpu.vector_load %arg11[%swap3A_74, %swap3A_75] {strides = array<i32>} : memref<640x16xf32, #tpu.memory_space<vmem>>, vector<1x16xf32>,
      %swap3A_77 = vector.shape_cast %swap3A_76 : vector<1x16xf32> to vector<16xf32>
      %swap3A_78 = vector.shape_cast %broadcast_in_dim3A_69 : vector<16xf32> to vector<1x16xf32>
      tpu.vector_store %arg11[%swap3A_74, %swap3A_75], %swap3A_78 {strides = array<i32>} : memref<640x16xf32, #tpu.memory_space<vmem>>, vector<1x16xf32>,
      %broadcast_in_dim3A_79 = arith.constant 0.000000e+00 : f32
      %broadcast_in_dim3A_80 = vector.broadcast %broadcast_in_dim3A_79 : f32 to vector<16xf32>
      %mul3A_81 = arith.constant 8 : i32
      %mul3A_82 = arith.muli %scan3A_58, %mul3A_81 : i32
      %add3A_83 = arith.constant 2 : i32
      %add3A_84 = arith.addi %mul3A_82, %add3A_83 : i32
      %swap3A_85 = arith.index_cast %add3A_84 : i32 to index
      %swap3A_86 = arith.constant 0 : index
      %swap3A_87 = tpu.vector_load %arg11[%swap3A_85, %swap3A_86] {strides = array<i32>} : memref<640x16xf32, #tpu.memory_space<vmem>>, vector<1x16xf32>,
      %swap3A_88 = vector.shape_cast %swap3A_87 : vector<1x16xf32> to vector<16xf32>
      %swap3A_89 = vector.shape_cast %broadcast_in_dim3A_80 : vector<16xf32> to vector<1x16xf32>
      tpu.vector_store %arg11[%swap3A_85, %swap3A_86], %swap3A_89 {strides = array<i32>} : memref<640x16xf32, #tpu.memory_space<vmem>>, vector<1x16xf32>,
      %broadcast_in_dim3A_90 = arith.constant 0.000000e+00 : f32
      %broadcast_in_dim3A_91 = vector.broadcast %broadcast_in_dim3A_90 : f32 to vector<16xf32>
      %mul3A_92 = arith.constant 8 : i32
      %mul3A_93 = arith.muli %scan3A_58, %mul3A_92 : i32
      %add3A_94 = arith.constant 3 : i32
      %add3A_95 = arith.addi %mul3A_93, %add3A_94 : i32
      %swap3A_96 = arith.index_cast %add3A_95 : i32 to index
      %swap3A_97 = arith.constant 0 : index
      %swap3A_98 = tpu.vector_load %arg11[%swap3A_96, %swap3A_97] {strides = array<i32>} : memref<640x16xf32, #tpu.memory_space<vmem>>, vector<1x16xf32>,
      %swap3A_99 = vector.shape_cast %swap3A_98 : vector<1x16xf32> to vector<16xf32>
      %swap3A_100 = vector.shape_cast %broadcast_in_dim3A_91 : vector<16xf32> to vector<1x16xf32>
      tpu.vector_store %arg11[%swap3A_96, %swap3A_97], %swap3A_100 {strides = array<i32>} : memref<640x16xf32, #tpu.memory_space<vmem>>, vector<1x16xf32>,
      %broadcast_in_dim3A_101 = arith.constant 0.000000e+00 : f32
      %broadcast_in_dim3A_102 = vector.broadcast %broadcast_in_dim3A_101 : f32 to vector<16xf32>
      %mul3A_103 = arith.constant 8 : i32
      %mul3A_104 = arith.muli %scan3A_58, %mul3A_103 : i32
      %add3A_105 = arith.constant 4 : i32
      %add3A_106 = arith.addi %mul3A_104, %add3A_105 : i32
      %swap3A_107 = arith.index_cast %add3A_106 : i32 to index
      %swap3A_108 = arith.constant 0 : index
      %swap3A_109 = tpu.vector_load %arg11[%swap3A_107, %swap3A_108] {strides = array<i32>} : memref<640x16xf32, #tpu.memory_space<vmem>>, vector<1x16xf32>,
      %swap3A_110 = vector.shape_cast %swap3A_109 : vector<1x16xf32> to vector<16xf32>
      %swap3A_111 = vector.shape_cast %broadcast_in_dim3A_102 : vector<16xf32> to vector<1x16xf32>
      tpu.vector_store %arg11[%swap3A_107, %swap3A_108], %swap3A_111 {strides = array<i32>} : memref<640x16xf32, #tpu.memory_space<vmem>>, vector<1x16xf32>,
      %broadcast_in_dim3A_112 = arith.constant 0.000000e+00 : f32
      %broadcast_in_dim3A_113 = vector.broadcast %broadcast_in_dim3A_112 : f32 to vector<16xf32>
      %mul3A_114 = arith.constant 8 : i32
      %mul3A_115 = arith.muli %scan3A_58, %mul3A_114 : i32
      %add3A_116 = arith.constant 5 : i32
      %add3A_117 = arith.addi %mul3A_115, %add3A_116 : i32
      %swap3A_118 = arith.index_cast %add3A_117 : i32 to index
      %swap3A_119 = arith.constant 0 : index
      %swap3A_120 = tpu.vector_load %arg11[%swap3A_118, %swap3A_119] {strides = array<i32>} : memref<640x16xf32, #tpu.memory_space<vmem>>, vector<1x16xf32>,
      %swap3A_121 = vector.shape_cast %swap3A_120 : vector<1x16xf32> to vector<16xf32>
      %swap3A_122 = vector.shape_cast %broadcast_in_dim3A_113 : vector<16xf32> to vector<1x16xf32>
      tpu.vector_store %arg11[%swap3A_118, %swap3A_119], %swap3A_122 {strides = array<i32>} : memref<640x16xf32, #tpu.memory_space<vmem>>, vector<1x16xf32>,
      %broadcast_in_dim3A_123 = arith.constant 0.000000e+00 : f32
      %broadcast_in_dim3A_124 = vector.broadcast %broadcast_in_dim3A_123 : f32 to vector<16xf32>
      %mul3A_125 = arith.constant 8 : i32
      %mul3A_126 = arith.muli %scan3A_58, %mul3A_125 : i32
      %add3A_127 = arith.constant 6 : i32
      %add3A_128 = arith.addi %mul3A_126, %add3A_127 : i32
      %swap3A_129 = arith.index_cast %add3A_128 : i32 to index
      %swap3A_130 = arith.constant 0 : index
      %swap3A_131 = tpu.vector_load %arg11[%swap3A_129, %swap3A_130] {strides = array<i32>} : memref<640x16xf32, #tpu.memory_space<vmem>>, vector<1x16xf32>,
      %swap3A_132 = vector.shape_cast %swap3A_131 : vector<1x16xf32> to vector<16xf32>
      %swap3A_133 = vector.shape_cast %broadcast_in_dim3A_124 : vector<16xf32> to vector<1x16xf32>
      tpu.vector_store %arg11[%swap3A_129, %swap3A_130], %swap3A_133 {strides = array<i32>} : memref<640x16xf32, #tpu.memory_space<vmem>>, vector<1x16xf32>,
      %broadcast_in_dim3A_134 = arith.constant 0.000000e+00 : f32
      %broadcast_in_dim3A_135 = vector.broadcast %broadcast_in_dim3A_134 : f32 to vector<16xf32>
      %mul3A_136 = arith.constant 8 : i32
      %mul3A_137 = arith.muli %scan3A_58, %mul3A_136 : i32
      %add3A_138 = arith.constant 7 : i32
      %add3A_139 = arith.addi %mul3A_137, %add3A_138 : i32
      %swap3A_140 = arith.index_cast %add3A_139 : i32 to index
      %swap3A_141 = arith.constant 0 : index
      %swap3A_142 = tpu.vector_load %arg11[%swap3A_140, %swap3A_141] {strides = array<i32>} : memref<640x16xf32, #tpu.memory_space<vmem>>, vector<1x16xf32>,
      %swap3A_143 = vector.shape_cast %swap3A_142 : vector<1x16xf32> to vector<16xf32>
      %swap3A_144 = vector.shape_cast %broadcast_in_dim3A_135 : vector<16xf32> to vector<1x16xf32>
      tpu.vector_store %arg11[%swap3A_140, %swap3A_141], %swap3A_144 {strides = array<i32>} : memref<640x16xf32, #tpu.memory_space<vmem>>, vector<1x16xf32>,
    }
    %scan3A_9 = arith.constant 80 : i32
    "tpu.region"() ({
      %run_scoped3A_58 = tpu.sem_alloc : memref<!tpu.dma_semaphore, #tpu.memory_space<semaphore_mem>>
      %dma_start3A_59 = arith.constant 0 : i32
      %dma_start3A_60 = tpu.memref_slice %arg12[%mul3A_2, %dma_start3A_59] : memref<10240x16xf32, #tpu.memory_space<vmem_shared>> -> memref<640x16xf32, #tpu.memory_space<vmem_shared>>
      %dma_start3A_61 = arith.constant 0 : i32
      %dma_start3A_62 = tpu.memref_slice %arg12[%mul3A_2, %dma_start3A_61] : memref<10240x16xf32, #tpu.memory_space<vmem_shared>> -> memref<640x16xf32, #tpu.memory_space<vmem_shared>>
      tpu.enqueue_dma source(%arg11 : memref<640x16xf32, #tpu.memory_space<vmem>>) target(%dma_start3A_62 : memref<640x16xf32, #tpu.memory_space<vmem_shared>>) target_semaphore(%run_scoped3A_58 : memref<!tpu.dma_semaphore, #tpu.memory_space<semaphore_mem>>)
      %dma_wait3A_63 = arith.constant 0 : i32
      %dma_wait3A_64 = tpu.memref_slice %arg12[%mul3A_2, %dma_wait3A_63] : memref<10240x16xf32, #tpu.memory_space<vmem_shared>> -> memref<640x16xf32, #tpu.memory_space<vmem_shared>>
      %dma_wait3A_65 = arith.constant 0 : i32
      %dma_wait3A_66 = tpu.memref_slice %arg12[%mul3A_2, %dma_wait3A_65] : memref<10240x16xf32, #tpu.memory_space<vmem_shared>> -> memref<640x16xf32, #tpu.memory_space<vmem_shared>>
      tpu.wait_dma2 semaphore(%run_scoped3A_58 : memref<!tpu.dma_semaphore, #tpu.memory_space<semaphore_mem>>) src(%arg11 : memref<640x16xf32, #tpu.memory_space<vmem>>) dst(%dma_wait3A_66 : memref<640x16xf32, #tpu.memory_space<vmem_shared>>)
      tpu.yield
    }) : () -> ()
    %barrier3A = arith.constant 0 : index
    tpu.barrier barrier_id(%barrier3A)
    %add3A_10 = arith.constant 0 : i32
    %add3A_11 = arith.addi %mul3A_4, %add3A_10 : i32
    %run_scoped3A = arith.constant 0 : i32
    "tpu.region"() ({
      %run_scoped3A_58 = tpu.sem_alloc : memref<!tpu.dma_semaphore, #tpu.memory_space<semaphore_mem>>
      %dma_start3A_59 = tpu.memref_slice %arg3[%run_scoped3A, %add3A_11] : memref<2x320000xi32, #tpu.memory_space<hbm>> -> memref<1x2000xi32, #tpu.memory_space<hbm>>
      %dma_start3A_60 = tpu.memref_squeeze %dma_start3A_59 : memref<1x2000xi32, #tpu.memory_space<hbm>> -> memref<2000xi32, #tpu.memory_space<hbm>>
      %dma_start3A_61 = tpu.memref_slice %arg3[%run_scoped3A, %add3A_11] : memref<2x320000xi32, #tpu.memory_space<hbm>> -> memref<1x2000xi32, #tpu.memory_space<hbm>>
      %dma_start3A_62 = tpu.memref_squeeze %dma_start3A_61 : memref<1x2000xi32, #tpu.memory_space<hbm>> -> memref<2000xi32, #tpu.memory_space<hbm>>
      tpu.enqueue_dma source(%dma_start3A_62 : memref<2000xi32, #tpu.memory_space<hbm>>) target(%arg5 : memref<2000xi32, #tpu.memory_space<vmem>>) target_semaphore(%run_scoped3A_58 : memref<!tpu.dma_semaphore, #tpu.memory_space<semaphore_mem>>)
      %dma_wait3A_63 = tpu.memref_slice %arg3[%run_scoped3A, %add3A_11] : memref<2x320000xi32, #tpu.memory_space<hbm>> -> memref<1x2000xi32, #tpu.memory_space<hbm>>
      %dma_wait3A_64 = tpu.memref_squeeze %dma_wait3A_63 : memref<1x2000xi32, #tpu.memory_space<hbm>> -> memref<2000xi32, #tpu.memory_space<hbm>>
      %dma_wait3A_65 = tpu.memref_slice %arg3[%run_scoped3A, %add3A_11] : memref<2x320000xi32, #tpu.memory_space<hbm>> -> memref<1x2000xi32, #tpu.memory_space<hbm>>
      %dma_wait3A_66 = tpu.memref_squeeze %dma_wait3A_65 : memref<1x2000xi32, #tpu.memory_space<hbm>> -> memref<2000xi32, #tpu.memory_space<hbm>>
      tpu.wait_dma2 semaphore(%run_scoped3A_58 : memref<!tpu.dma_semaphore, #tpu.memory_space<semaphore_mem>>) src(%dma_wait3A_66 : memref<2000xi32, #tpu.memory_space<hbm>>) dst(%arg5 : memref<2000xi32, #tpu.memory_space<vmem>>)
      tpu.yield
    }) : () -> ()
    %run_scoped3A_12 = arith.constant 1 : i32
    "tpu.region"() ({
      %run_scoped3A_58 = tpu.sem_alloc : memref<!tpu.dma_semaphore, #tpu.memory_space<semaphore_mem>>
      %dma_start3A_59 = tpu.memref_slice %arg3[%run_scoped3A_12, %add3A_11] : memref<2x320000xi32, #tpu.memory_space<hbm>> -> memref<1x2000xi32, #tpu.memory_space<hbm>>
      %dma_start3A_60 = tpu.memref_squeeze %dma_start3A_59 : memref<1x2000xi32, #tpu.memory_space<hbm>> -> memref<2000xi32, #tpu.memory_space<hbm>>
      %dma_start3A_61 = tpu.memref_slice %arg3[%run_scoped3A_12, %add3A_11] : memref<2x320000xi32, #tpu.memory_space<hbm>> -> memref<1x2000xi32, #tpu.memory_space<hbm>>
      %dma_start3A_62 = tpu.memref_squeeze %dma_start3A_61 : memref<1x2000xi32, #tpu.memory_space<hbm>> -> memref<2000xi32, #tpu.memory_space<hbm>>
      tpu.enqueue_dma source(%dma_start3A_62 : memref<2000xi32, #tpu.memory_space<hbm>>) target(%arg6 : memref<2000xi32, #tpu.memory_space<vmem>>) target_semaphore(%run_scoped3A_58 : memref<!tpu.dma_semaphore, #tpu.memory_space<semaphore_mem>>)
      %dma_wait3A_63 = tpu.memref_slice %arg3[%run_scoped3A_12, %add3A_11] : memref<2x320000xi32, #tpu.memory_space<hbm>> -> memref<1x2000xi32, #tpu.memory_space<hbm>>
      %dma_wait3A_64 = tpu.memref_squeeze %dma_wait3A_63 : memref<1x2000xi32, #tpu.memory_space<hbm>> -> memref<2000xi32, #tpu.memory_space<hbm>>
      %dma_wait3A_65 = tpu.memref_slice %arg3[%run_scoped3A_12, %add3A_11] : memref<2x320000xi32, #tpu.memory_space<hbm>> -> memref<1x2000xi32, #tpu.memory_space<hbm>>
      %dma_wait3A_66 = tpu.memref_squeeze %dma_wait3A_65 : memref<1x2000xi32, #tpu.memory_space<hbm>> -> memref<2000xi32, #tpu.memory_space<hbm>>
      tpu.wait_dma2 semaphore(%run_scoped3A_58 : memref<!tpu.dma_semaphore, #tpu.memory_space<semaphore_mem>>) src(%dma_wait3A_66 : memref<2000xi32, #tpu.memory_space<hbm>>) dst(%arg6 : memref<2000xi32, #tpu.memory_space<vmem>>)
      tpu.yield
    }) : () -> ()
    %dma_start3A = arith.constant 0 : i32
    %dma_start3A_13 = arith.constant 0 : i32
    %dma_start3A_14 = tpu.memref_slice %arg2[%dma_start3A, %dma_start3A_13] : memref<10240x16xf32, #tpu.memory_space<hbm>> -> memref<10240x16xf32, #tpu.memory_space<hbm>>
    tpu.enqueue_indirect_dma source(%dma_start3A_14 : memref<10240x16xf32, #tpu.memory_space<hbm>>) target(%arg9 : memref<2000x16xf32, #tpu.memory_space<vmem>>) offsets(%arg5 : memref<2000xi32, #tpu.memory_space<vmem>>) semaphore(%arg13 : memref<!tpu.dma_semaphore, #tpu.memory_space<semaphore_mem>>)
    %add3A_15 = arith.constant 2000 : i32
    %add3A_16 = arith.addi %mul3A_4, %add3A_15 : i32
    %run_scoped3A_17 = arith.constant 0 : i32
    "tpu.region"() ({
      %run_scoped3A_58 = tpu.sem_alloc : memref<!tpu.dma_semaphore, #tpu.memory_space<semaphore_mem>>
      %dma_start3A_59 = tpu.memref_slice %arg3[%run_scoped3A_17, %add3A_16] : memref<2x320000xi32, #tpu.memory_space<hbm>> -> memref<1x2000xi32, #tpu.memory_space<hbm>>
      %dma_start3A_60 = tpu.memref_squeeze %dma_start3A_59 : memref<1x2000xi32, #tpu.memory_space<hbm>> -> memref<2000xi32, #tpu.memory_space<hbm>>
      %dma_start3A_61 = tpu.memref_slice %arg3[%run_scoped3A_17, %add3A_16] : memref<2x320000xi32, #tpu.memory_space<hbm>> -> memref<1x2000xi32, #tpu.memory_space<hbm>>
      %dma_start3A_62 = tpu.memref_squeeze %dma_start3A_61 : memref<1x2000xi32, #tpu.memory_space<hbm>> -> memref<2000xi32, #tpu.memory_space<hbm>>
      tpu.enqueue_dma source(%dma_start3A_62 : memref<2000xi32, #tpu.memory_space<hbm>>) target(%arg7 : memref<2000xi32, #tpu.memory_space<vmem>>) target_semaphore(%run_scoped3A_58 : memref<!tpu.dma_semaphore, #tpu.memory_space<semaphore_mem>>)
      %dma_wait3A_63 = tpu.memref_slice %arg3[%run_scoped3A_17, %add3A_16] : memref<2x320000xi32, #tpu.memory_space<hbm>> -> memref<1x2000xi32, #tpu.memory_space<hbm>>
      %dma_wait3A_64 = tpu.memref_squeeze %dma_wait3A_63 : memref<1x2000xi32, #tpu.memory_space<hbm>> -> memref<2000xi32, #tpu.memory_space<hbm>>
      %dma_wait3A_65 = tpu.memref_slice %arg3[%run_scoped3A_17, %add3A_16] : memref<2x320000xi32, #tpu.memory_space<hbm>> -> memref<1x2000xi32, #tpu.memory_space<hbm>>
      %dma_wait3A_66 = tpu.memref_squeeze %dma_wait3A_65 : memref<1x2000xi32, #tpu.memory_space<hbm>> -> memref<2000xi32, #tpu.memory_space<hbm>>
      tpu.wait_dma2 semaphore(%run_scoped3A_58 : memref<!tpu.dma_semaphore, #tpu.memory_space<semaphore_mem>>) src(%dma_wait3A_66 : memref<2000xi32, #tpu.memory_space<hbm>>) dst(%arg7 : memref<2000xi32, #tpu.memory_space<vmem>>)
      tpu.yield
    }) : () -> ()
    %run_scoped3A_18 = arith.constant 1 : i32
    "tpu.region"() ({
      %run_scoped3A_58 = tpu.sem_alloc : memref<!tpu.dma_semaphore, #tpu.memory_space<semaphore_mem>>
      %dma_start3A_59 = tpu.memref_slice %arg3[%run_scoped3A_18, %add3A_16] : memref<2x320000xi32, #tpu.memory_space<hbm>> -> memref<1x2000xi32, #tpu.memory_space<hbm>>
      %dma_start3A_60 = tpu.memref_squeeze %dma_start3A_59 : memref<1x2000xi32, #tpu.memory_space<hbm>> -> memref<2000xi32, #tpu.memory_space<hbm>>
      %dma_start3A_61 = tpu.memref_slice %arg3[%run_scoped3A_18, %add3A_16] : memref<2x320000xi32, #tpu.memory_space<hbm>> -> memref<1x2000xi32, #tpu.memory_space<hbm>>
      %dma_start3A_62 = tpu.memref_squeeze %dma_start3A_61 : memref<1x2000xi32, #tpu.memory_space<hbm>> -> memref<2000xi32, #tpu.memory_space<hbm>>
      tpu.enqueue_dma source(%dma_start3A_62 : memref<2000xi32, #tpu.memory_space<hbm>>) target(%arg8 : memref<2000xi32, #tpu.memory_space<vmem>>) target_semaphore(%run_scoped3A_58 : memref<!tpu.dma_semaphore, #tpu.memory_space<semaphore_mem>>)
      %dma_wait3A_63 = tpu.memref_slice %arg3[%run_scoped3A_18, %add3A_16] : memref<2x320000xi32, #tpu.memory_space<hbm>> -> memref<1x2000xi32, #tpu.memory_space<hbm>>
      %dma_wait3A_64 = tpu.memref_squeeze %dma_wait3A_63 : memref<1x2000xi32, #tpu.memory_space<hbm>> -> memref<2000xi32, #tpu.memory_space<hbm>>
      %dma_wait3A_65 = tpu.memref_slice %arg3[%run_scoped3A_18, %add3A_16] : memref<2x320000xi32, #tpu.memory_space<hbm>> -> memref<1x2000xi32, #tpu.memory_space<hbm>>
      %dma_wait3A_66 = tpu.memref_squeeze %dma_wait3A_65 : memref<1x2000xi32, #tpu.memory_space<hbm>> -> memref<2000xi32, #tpu.memory_space<hbm>>
      tpu.wait_dma2 semaphore(%run_scoped3A_58 : memref<!tpu.dma_semaphore, #tpu.memory_space<semaphore_mem>>) src(%dma_wait3A_66 : memref<2000xi32, #tpu.memory_space<hbm>>) dst(%arg8 : memref<2000xi32, #tpu.memory_space<vmem>>)
      tpu.yield
    }) : () -> ()
    %dma_start3A_19 = arith.constant 0 : i32
    %dma_start3A_20 = arith.constant 0 : i32
    %dma_start3A_21 = tpu.memref_slice %arg2[%dma_start3A_19, %dma_start3A_20] : memref<10240x16xf32, #tpu.memory_space<hbm>> -> memref<10240x16xf32, #tpu.memory_space<hbm>>
    tpu.enqueue_indirect_dma source(%dma_start3A_21 : memref<10240x16xf32, #tpu.memory_space<hbm>>) target(%arg10 : memref<2000x16xf32, #tpu.memory_space<vmem>>) offsets(%arg7 : memref<2000xi32, #tpu.memory_space<vmem>>) semaphore(%arg14 : memref<!tpu.dma_semaphore, #tpu.memory_space<semaphore_mem>>)
    %dma_wait3A = arith.constant 0 : i32
    %dma_wait3A_22 = arith.constant 0 : i32
    %dma_wait3A_23 = tpu.memref_slice %arg2[%dma_wait3A, %dma_wait3A_22] : memref<10240x16xf32, #tpu.memory_space<hbm>> -> memref<10240x16xf32, #tpu.memory_space<hbm>>
    tpu.wait_indirect_dma semaphore(%arg13 : memref<!tpu.dma_semaphore, #tpu.memory_space<semaphore_mem>>) src(%dma_wait3A_23 : memref<10240x16xf32, #tpu.memory_space<hbm>>) dst(%arg9 : memref<2000x16xf32, #tpu.memory_space<vmem>>)
    "tpu.region"() ({
      %run_scoped3A_58 = tpu.sem_alloc : memref<!tpu.dma_semaphore, #tpu.memory_space<semaphore_mem>>
      %dma_start3A_59 = arith.constant 0 : i32
      %dma_start3A_60 = arith.constant 0 : i32
      %dma_start3A_61 = tpu.memref_slice %arg12[%dma_start3A_59, %dma_start3A_60] : memref<10240x16xf32, #tpu.memory_space<vmem_shared>> -> memref<10240x16xf32, #tpu.memory_space<vmem_shared>>
      tpu.enqueue_indirect_dma source(%arg9 : memref<2000x16xf32, #tpu.memory_space<vmem>>) target(%dma_start3A_61 : memref<10240x16xf32, #tpu.memory_space<vmem_shared>>) offsets(%arg6 : memref<2000xi32, #tpu.memory_space<vmem>>) semaphore(%run_scoped3A_58 : memref<!tpu.dma_semaphore, #tpu.memory_space<semaphore_mem>>) {add = true}
      %dma_wait3A_62 = arith.constant 0 : i32
      %dma_wait3A_63 = arith.constant 0 : i32
      %dma_wait3A_64 = tpu.memref_slice %arg12[%dma_wait3A_62, %dma_wait3A_63] : memref<10240x16xf32, #tpu.memory_space<vmem_shared>> -> memref<10240x16xf32, #tpu.memory_space<vmem_shared>>
      tpu.wait_indirect_dma semaphore(%run_scoped3A_58 : memref<!tpu.dma_semaphore, #tpu.memory_space<semaphore_mem>>) src(%arg9 : memref<2000x16xf32, #tpu.memory_space<vmem>>) dst(%dma_wait3A_64 : memref<10240x16xf32, #tpu.memory_space<vmem_shared>>)
      tpu.yield
    }) : () -> ()
    %add3A_24 = arith.constant 4000 : i32
    %add3A_25 = arith.addi %mul3A_4, %add3A_24 : i32
    %run_scoped3A_26 = arith.constant 0 : i32
    "tpu.region"() ({
      %run_scoped3A_58 = tpu.sem_alloc : memref<!tpu.dma_semaphore, #tpu.memory_space<semaphore_mem>>
      %dma_start3A_59 = tpu.memref_slice %arg3[%run_scoped3A_26, %add3A_25] : memref<2x320000xi32, #tpu.memory_space<hbm>> -> memref<1x2000xi32, #tpu.memory_space<hbm>>
      %dma_start3A_60 = tpu.memref_squeeze %dma_start3A_59 : memref<1x2000xi32, #tpu.memory_space<hbm>> -> memref<2000xi32, #tpu.memory_space<hbm>>
      %dma_start3A_61 = tpu.memref_slice %arg3[%run_scoped3A_26, %add3A_25] : memref<2x320000xi32, #tpu.memory_space<hbm>> -> memref<1x2000xi32, #tpu.memory_space<hbm>>
      %dma_start3A_62 = tpu.memref_squeeze %dma_start3A_61 : memref<1x2000xi32, #tpu.memory_space<hbm>> -> memref<2000xi32, #tpu.memory_space<hbm>>
      tpu.enqueue_dma source(%dma_start3A_62 : memref<2000xi32, #tpu.memory_space<hbm>>) target(%arg5 : memref<2000xi32, #tpu.memory_space<vmem>>) target_semaphore(%run_scoped3A_58 : memref<!tpu.dma_semaphore, #tpu.memory_space<semaphore_mem>>)
      %dma_wait3A_63 = tpu.memref_slice %arg3[%run_scoped3A_26, %add3A_25] : memref<2x320000xi32, #tpu.memory_space<hbm>> -> memref<1x2000xi32, #tpu.memory_space<hbm>>
      %dma_wait3A_64 = tpu.memref_squeeze %dma_wait3A_63 : memref<1x2000xi32, #tpu.memory_space<hbm>> -> memref<2000xi32, #tpu.memory_space<hbm>>
      %dma_wait3A_65 = tpu.memref_slice %arg3[%run_scoped3A_26, %add3A_25] : memref<2x320000xi32, #tpu.memory_space<hbm>> -> memref<1x2000xi32, #tpu.memory_space<hbm>>
      %dma_wait3A_66 = tpu.memref_squeeze %dma_wait3A_65 : memref<1x2000xi32, #tpu.memory_space<hbm>> -> memref<2000xi32, #tpu.memory_space<hbm>>
      tpu.wait_dma2 semaphore(%run_scoped3A_58 : memref<!tpu.dma_semaphore, #tpu.memory_space<semaphore_mem>>) src(%dma_wait3A_66 : memref<2000xi32, #tpu.memory_space<hbm>>) dst(%arg5 : memref<2000xi32, #tpu.memory_space<vmem>>)
      tpu.yield
    }) : () -> ()
    %run_scoped3A_27 = arith.constant 1 : i32
    "tpu.region"() ({
      %run_scoped3A_58 = tpu.sem_alloc : memref<!tpu.dma_semaphore, #tpu.memory_space<semaphore_mem>>
      %dma_start3A_59 = tpu.memref_slice %arg3[%run_scoped3A_27, %add3A_25] : memref<2x320000xi32, #tpu.memory_space<hbm>> -> memref<1x2000xi32, #tpu.memory_space<hbm>>
      %dma_start3A_60 = tpu.memref_squeeze %dma_start3A_59 : memref<1x2000xi32, #tpu.memory_space<hbm>> -> memref<2000xi32, #tpu.memory_space<hbm>>
      %dma_start3A_61 = tpu.memref_slice %arg3[%run_scoped3A_27, %add3A_25] : memref<2x320000xi32, #tpu.memory_space<hbm>> -> memref<1x2000xi32, #tpu.memory_space<hbm>>
      %dma_start3A_62 = tpu.memref_squeeze %dma_start3A_61 : memref<1x2000xi32, #tpu.memory_space<hbm>> -> memref<2000xi32, #tpu.memory_space<hbm>>
      tpu.enqueue_dma source(%dma_start3A_62 : memref<2000xi32, #tpu.memory_space<hbm>>) target(%arg6 : memref<2000xi32, #tpu.memory_space<vmem>>) target_semaphore(%run_scoped3A_58 : memref<!tpu.dma_semaphore, #tpu.memory_space<semaphore_mem>>)
      %dma_wait3A_63 = tpu.memref_slice %arg3[%run_scoped3A_27, %add3A_25] : memref<2x320000xi32, #tpu.memory_space<hbm>> -> memref<1x2000xi32, #tpu.memory_space<hbm>>
      %dma_wait3A_64 = tpu.memref_squeeze %dma_wait3A_63 : memref<1x2000xi32, #tpu.memory_space<hbm>> -> memref<2000xi32, #tpu.memory_space<hbm>>
      %dma_wait3A_65 = tpu.memref_slice %arg3[%run_scoped3A_27, %add3A_25] : memref<2x320000xi32, #tpu.memory_space<hbm>> -> memref<1x2000xi32, #tpu.memory_space<hbm>>
      %dma_wait3A_66 = tpu.memref_squeeze %dma_wait3A_65 : memref<1x2000xi32, #tpu.memory_space<hbm>> -> memref<2000xi32, #tpu.memory_space<hbm>>
      tpu.wait_dma2 semaphore(%run_scoped3A_58 : memref<!tpu.dma_semaphore, #tpu.memory_space<semaphore_mem>>) src(%dma_wait3A_66 : memref<2000xi32, #tpu.memory_space<hbm>>) dst(%arg6 : memref<2000xi32, #tpu.memory_space<vmem>>)
      tpu.yield
    }) : () -> ()
    %dma_start3A_28 = arith.constant 0 : i32
    %dma_start3A_29 = arith.constant 0 : i32
    %dma_start3A_30 = tpu.memref_slice %arg2[%dma_start3A_28, %dma_start3A_29] : memref<10240x16xf32, #tpu.memory_space<hbm>> -> memref<10240x16xf32, #tpu.memory_space<hbm>>
    tpu.enqueue_indirect_dma source(%dma_start3A_30 : memref<10240x16xf32, #tpu.memory_space<hbm>>) target(%arg9 : memref<2000x16xf32, #tpu.memory_space<vmem>>) offsets(%arg5 : memref<2000xi32, #tpu.memory_space<vmem>>) semaphore(%arg13 : memref<!tpu.dma_semaphore, #tpu.memory_space<semaphore_mem>>)
    %dma_wait3A_31 = arith.constant 0 : i32
    %dma_wait3A_32 = arith.constant 0 : i32
    %dma_wait3A_33 = tpu.memref_slice %arg2[%dma_wait3A_31, %dma_wait3A_32] : memref<10240x16xf32, #tpu.memory_space<hbm>> -> memref<10240x16xf32, #tpu.memory_space<hbm>>
    tpu.wait_indirect_dma semaphore(%arg14 : memref<!tpu.dma_semaphore, #tpu.memory_space<semaphore_mem>>) src(%dma_wait3A_33 : memref<10240x16xf32, #tpu.memory_space<hbm>>) dst(%arg10 : memref<2000x16xf32, #tpu.memory_space<vmem>>)
    "tpu.region"() ({
      %run_scoped3A_58 = tpu.sem_alloc : memref<!tpu.dma_semaphore, #tpu.memory_space<semaphore_mem>>
      %dma_start3A_59 = arith.constant 0 : i32
      %dma_start3A_60 = arith.constant 0 : i32
      %dma_start3A_61 = tpu.memref_slice %arg12[%dma_start3A_59, %dma_start3A_60] : memref<10240x16xf32, #tpu.memory_space<vmem_shared>> -> memref<10240x16xf32, #tpu.memory_space<vmem_shared>>
      tpu.enqueue_indirect_dma source(%arg10 : memref<2000x16xf32, #tpu.memory_space<vmem>>) target(%dma_start3A_61 : memref<10240x16xf32, #tpu.memory_space<vmem_shared>>) offsets(%arg8 : memref<2000xi32, #tpu.memory_space<vmem>>) semaphore(%run_scoped3A_58 : memref<!tpu.dma_semaphore, #tpu.memory_space<semaphore_mem>>) {add = true}
      %dma_wait3A_62 = arith.constant 0 : i32
      %dma_wait3A_63 = arith.constant 0 : i32
      %dma_wait3A_64 = tpu.memref_slice %arg12[%dma_wait3A_62, %dma_wait3A_63] : memref<10240x16xf32, #tpu.memory_space<vmem_shared>> -> memref<10240x16xf32, #tpu.memory_space<vmem_shared>>
      tpu.wait_indirect_dma semaphore(%run_scoped3A_58 : memref<!tpu.dma_semaphore, #tpu.memory_space<semaphore_mem>>) src(%arg10 : memref<2000x16xf32, #tpu.memory_space<vmem>>) dst(%dma_wait3A_64 : memref<10240x16xf32, #tpu.memory_space<vmem_shared>>)
      tpu.yield
    }) : () -> ()
    %add3A_34 = arith.constant 6000 : i32
    %add3A_35 = arith.addi %mul3A_4, %add3A_34 : i32
    %run_scoped3A_36 = arith.constant 0 : i32
    "tpu.region"() ({
      %run_scoped3A_58 = tpu.sem_alloc : memref<!tpu.dma_semaphore, #tpu.memory_space<semaphore_mem>>
      %dma_start3A_59 = tpu.memref_slice %arg3[%run_scoped3A_36, %add3A_35] : memref<2x320000xi32, #tpu.memory_space<hbm>> -> memref<1x2000xi32, #tpu.memory_space<hbm>>
      %dma_start3A_60 = tpu.memref_squeeze %dma_start3A_59 : memref<1x2000xi32, #tpu.memory_space<hbm>> -> memref<2000xi32, #tpu.memory_space<hbm>>
      %dma_start3A_61 = tpu.memref_slice %arg3[%run_scoped3A_36, %add3A_35] : memref<2x320000xi32, #tpu.memory_space<hbm>> -> memref<1x2000xi32, #tpu.memory_space<hbm>>
      %dma_start3A_62 = tpu.memref_squeeze %dma_start3A_61 : memref<1x2000xi32, #tpu.memory_space<hbm>> -> memref<2000xi32, #tpu.memory_space<hbm>>
      tpu.enqueue_dma source(%dma_start3A_62 : memref<2000xi32, #tpu.memory_space<hbm>>) target(%arg7 : memref<2000xi32, #tpu.memory_space<vmem>>) target_semaphore(%run_scoped3A_58 : memref<!tpu.dma_semaphore, #tpu.memory_space<semaphore_mem>>)
      %dma_wait3A_63 = tpu.memref_slice %arg3[%run_scoped3A_36, %add3A_35] : memref<2x320000xi32, #tpu.memory_space<hbm>> -> memref<1x2000xi32, #tpu.memory_space<hbm>>
      %dma_wait3A_64 = tpu.memref_squeeze %dma_wait3A_63 : memref<1x2000xi32, #tpu.memory_space<hbm>> -> memref<2000xi32, #tpu.memory_space<hbm>>
      %dma_wait3A_65 = tpu.memref_slice %arg3[%run_scoped3A_36, %add3A_35] : memref<2x320000xi32, #tpu.memory_space<hbm>> -> memref<1x2000xi32, #tpu.memory_space<hbm>>
      %dma_wait3A_66 = tpu.memref_squeeze %dma_wait3A_65 : memref<1x2000xi32, #tpu.memory_space<hbm>> -> memref<2000xi32, #tpu.memory_space<hbm>>
      tpu.wait_dma2 semaphore(%run_scoped3A_58 : memref<!tpu.dma_semaphore, #tpu.memory_space<semaphore_mem>>) src(%dma_wait3A_66 : memref<2000xi32, #tpu.memory_space<hbm>>) dst(%arg7 : memref<2000xi32, #tpu.memory_space<vmem>>)
      tpu.yield
    }) : () -> ()
    %run_scoped3A_37 = arith.constant 1 : i32
    "tpu.region"() ({
      %run_scoped3A_58 = tpu.sem_alloc : memref<!tpu.dma_semaphore, #tpu.memory_space<semaphore_mem>>
      %dma_start3A_59 = tpu.memref_slice %arg3[%run_scoped3A_37, %add3A_35] : memref<2x320000xi32, #tpu.memory_space<hbm>> -> memref<1x2000xi32, #tpu.memory_space<hbm>>
      %dma_start3A_60 = tpu.memref_squeeze %dma_start3A_59 : memref<1x2000xi32, #tpu.memory_space<hbm>> -> memref<2000xi32, #tpu.memory_space<hbm>>
      %dma_start3A_61 = tpu.memref_slice %arg3[%run_scoped3A_37, %add3A_35] : memref<2x320000xi32, #tpu.memory_space<hbm>> -> memref<1x2000xi32, #tpu.memory_space<hbm>>
      %dma_start3A_62 = tpu.memref_squeeze %dma_start3A_61 : memref<1x2000xi32, #tpu.memory_space<hbm>> -> memref<2000xi32, #tpu.memory_space<hbm>>
      tpu.enqueue_dma source(%dma_start3A_62 : memref<2000xi32, #tpu.memory_space<hbm>>) target(%arg8 : memref<2000xi32, #tpu.memory_space<vmem>>) target_semaphore(%run_scoped3A_58 : memref<!tpu.dma_semaphore, #tpu.memory_space<semaphore_mem>>)
      %dma_wait3A_63 = tpu.memref_slice %arg3[%run_scoped3A_37, %add3A_35] : memref<2x320000xi32, #tpu.memory_space<hbm>> -> memref<1x2000xi32, #tpu.memory_space<hbm>>
      %dma_wait3A_64 = tpu.memref_squeeze %dma_wait3A_63 : memref<1x2000xi32, #tpu.memory_space<hbm>> -> memref<2000xi32, #tpu.memory_space<hbm>>
      %dma_wait3A_65 = tpu.memref_slice %arg3[%run_scoped3A_37, %add3A_35] : memref<2x320000xi32, #tpu.memory_space<hbm>> -> memref<1x2000xi32, #tpu.memory_space<hbm>>
      %dma_wait3A_66 = tpu.memref_squeeze %dma_wait3A_65 : memref<1x2000xi32, #tpu.memory_space<hbm>> -> memref<2000xi32, #tpu.memory_space<hbm>>
      tpu.wait_dma2 semaphore(%run_scoped3A_58 : memref<!tpu.dma_semaphore, #tpu.memory_space<semaphore_mem>>) src(%dma_wait3A_66 : memref<2000xi32, #tpu.memory_space<hbm>>) dst(%arg8 : memref<2000xi32, #tpu.memory_space<vmem>>)
      tpu.yield
    }) : () -> ()
    %dma_start3A_38 = arith.constant 0 : i32
    %dma_start3A_39 = arith.constant 0 : i32
    %dma_start3A_40 = tpu.memref_slice %arg2[%dma_start3A_38, %dma_start3A_39] : memref<10240x16xf32, #tpu.memory_space<hbm>> -> memref<10240x16xf32, #tpu.memory_space<hbm>>
    tpu.enqueue_indirect_dma source(%dma_start3A_40 : memref<10240x16xf32, #tpu.memory_space<hbm>>) target(%arg10 : memref<2000x16xf32, #tpu.memory_space<vmem>>) offsets(%arg7 : memref<2000xi32, #tpu.memory_space<vmem>>) semaphore(%arg14 : memref<!tpu.dma_semaphore, #tpu.memory_space<semaphore_mem>>)
    %dma_wait3A_41 = arith.constant 0 : i32
    %dma_wait3A_42 = arith.constant 0 : i32
    %dma_wait3A_43 = tpu.memref_slice %arg2[%dma_wait3A_41, %dma_wait3A_42] : memref<10240x16xf32, #tpu.memory_space<hbm>> -> memref<10240x16xf32, #tpu.memory_space<hbm>>
    tpu.wait_indirect_dma semaphore(%arg13 : memref<!tpu.dma_semaphore, #tpu.memory_space<semaphore_mem>>) src(%dma_wait3A_43 : memref<10240x16xf32, #tpu.memory_space<hbm>>) dst(%arg9 : memref<2000x16xf32, #tpu.memory_space<vmem>>)
    "tpu.region"() ({
      %run_scoped3A_58 = tpu.sem_alloc : memref<!tpu.dma_semaphore, #tpu.memory_space<semaphore_mem>>
      %dma_start3A_59 = arith.constant 0 : i32
      %dma_start3A_60 = arith.constant 0 : i32
      %dma_start3A_61 = tpu.memref_slice %arg12[%dma_start3A_59, %dma_start3A_60] : memref<10240x16xf32, #tpu.memory_space<vmem_shared>> -> memref<10240x16xf32, #tpu.memory_space<vmem_shared>>
      tpu.enqueue_indirect_dma source(%arg9 : memref<2000x16xf32, #tpu.memory_space<vmem>>) target(%dma_start3A_61 : memref<10240x16xf32, #tpu.memory_space<vmem_shared>>) offsets(%arg6 : memref<2000xi32, #tpu.memory_space<vmem>>) semaphore(%run_scoped3A_58 : memref<!tpu.dma_semaphore, #tpu.memory_space<semaphore_mem>>) {add = true}
      %dma_wait3A_62 = arith.constant 0 : i32
      %dma_wait3A_63 = arith.constant 0 : i32
      %dma_wait3A_64 = tpu.memref_slice %arg12[%dma_wait3A_62, %dma_wait3A_63] : memref<10240x16xf32, #tpu.memory_space<vmem_shared>> -> memref<10240x16xf32, #tpu.memory_space<vmem_shared>>
      tpu.wait_indirect_dma semaphore(%run_scoped3A_58 : memref<!tpu.dma_semaphore, #tpu.memory_space<semaphore_mem>>) src(%arg9 : memref<2000x16xf32, #tpu.memory_space<vmem>>) dst(%dma_wait3A_64 : memref<10240x16xf32, #tpu.memory_space<vmem_shared>>)
      tpu.yield
    }) : () -> ()
    %add3A_44 = arith.constant 8000 : i32
    %add3A_45 = arith.addi %mul3A_4, %add3A_44 : i32
    %run_scoped3A_46 = arith.constant 0 : i32
    "tpu.region"() ({
      %run_scoped3A_58 = tpu.sem_alloc : memref<!tpu.dma_semaphore, #tpu.memory_space<semaphore_mem>>
      %dma_start3A_59 = tpu.memref_slice %arg3[%run_scoped3A_46, %add3A_45] : memref<2x320000xi32, #tpu.memory_space<hbm>> -> memref<1x2000xi32, #tpu.memory_space<hbm>>
      %dma_start3A_60 = tpu.memref_squeeze %dma_start3A_59 : memref<1x2000xi32, #tpu.memory_space<hbm>> -> memref<2000xi32, #tpu.memory_space<hbm>>
      %dma_start3A_61 = tpu.memref_slice %arg3[%run_scoped3A_46, %add3A_45] : memref<2x320000xi32, #tpu.memory_space<hbm>> -> memref<1x2000xi32, #tpu.memory_space<hbm>>
      %dma_start3A_62 = tpu.memref_squeeze %dma_start3A_61 : memref<1x2000xi32, #tpu.memory_space<hbm>> -> memref<2000xi32, #tpu.memory_space<hbm>>
      tpu.enqueue_dma source(%dma_start3A_62 : memref<2000xi32, #tpu.memory_space<hbm>>) target(%arg5 : memref<2000xi32, #tpu.memory_space<vmem>>) target_semaphore(%run_scoped3A_58 : memref<!tpu.dma_semaphore, #tpu.memory_space<semaphore_mem>>)
      %dma_wait3A_63 = tpu.memref_slice %arg3[%run_scoped3A_46, %add3A_45] : memref<2x320000xi32, #tpu.memory_space<hbm>> -> memref<1x2000xi32, #tpu.memory_space<hbm>>
      %dma_wait3A_64 = tpu.memref_squeeze %dma_wait3A_63 : memref<1x2000xi32, #tpu.memory_space<hbm>> -> memref<2000xi32, #tpu.memory_space<hbm>>
      %dma_wait3A_65 = tpu.memref_slice %arg3[%run_scoped3A_46, %add3A_45] : memref<2x320000xi32, #tpu.memory_space<hbm>> -> memref<1x2000xi32, #tpu.memory_space<hbm>>
      %dma_wait3A_66 = tpu.memref_squeeze %dma_wait3A_65 : memref<1x2000xi32, #tpu.memory_space<hbm>> -> memref<2000xi32, #tpu.memory_space<hbm>>
      tpu.wait_dma2 semaphore(%run_scoped3A_58 : memref<!tpu.dma_semaphore, #tpu.memory_space<semaphore_mem>>) src(%dma_wait3A_66 : memref<2000xi32, #tpu.memory_space<hbm>>) dst(%arg5 : memref<2000xi32, #tpu.memory_space<vmem>>)
      tpu.yield
    }) : () -> ()
    %run_scoped3A_47 = arith.constant 1 : i32
    "tpu.region"() ({
      %run_scoped3A_58 = tpu.sem_alloc : memref<!tpu.dma_semaphore, #tpu.memory_space<semaphore_mem>>
      %dma_start3A_59 = tpu.memref_slice %arg3[%run_scoped3A_47, %add3A_45] : memref<2x320000xi32, #tpu.memory_space<hbm>> -> memref<1x2000xi32, #tpu.memory_space<hbm>>
      %dma_start3A_60 = tpu.memref_squeeze %dma_start3A_59 : memref<1x2000xi32, #tpu.memory_space<hbm>> -> memref<2000xi32, #tpu.memory_space<hbm>>
      %dma_start3A_61 = tpu.memref_slice %arg3[%run_scoped3A_47, %add3A_45] : memref<2x320000xi32, #tpu.memory_space<hbm>> -> memref<1x2000xi32, #tpu.memory_space<hbm>>
      %dma_start3A_62 = tpu.memref_squeeze %dma_start3A_61 : memref<1x2000xi32, #tpu.memory_space<hbm>> -> memref<2000xi32, #tpu.memory_space<hbm>>
      tpu.enqueue_dma source(%dma_start3A_62 : memref<2000xi32, #tpu.memory_space<hbm>>) target(%arg6 : memref<2000xi32, #tpu.memory_space<vmem>>) target_semaphore(%run_scoped3A_58 : memref<!tpu.dma_semaphore, #tpu.memory_space<semaphore_mem>>)
      %dma_wait3A_63 = tpu.memref_slice %arg3[%run_scoped3A_47, %add3A_45] : memref<2x320000xi32, #tpu.memory_space<hbm>> -> memref<1x2000xi32, #tpu.memory_space<hbm>>
      %dma_wait3A_64 = tpu.memref_squeeze %dma_wait3A_63 : memref<1x2000xi32, #tpu.memory_space<hbm>> -> memref<2000xi32, #tpu.memory_space<hbm>>
      %dma_wait3A_65 = tpu.memref_slice %arg3[%run_scoped3A_47, %add3A_45] : memref<2x320000xi32, #tpu.memory_space<hbm>> -> memref<1x2000xi32, #tpu.memory_space<hbm>>
      %dma_wait3A_66 = tpu.memref_squeeze %dma_wait3A_65 : memref<1x2000xi32, #tpu.memory_space<hbm>> -> memref<2000xi32, #tpu.memory_space<hbm>>
      tpu.wait_dma2 semaphore(%run_scoped3A_58 : memref<!tpu.dma_semaphore, #tpu.memory_space<semaphore_mem>>) src(%dma_wait3A_66 : memref<2000xi32, #tpu.memory_space<hbm>>) dst(%arg6 : memref<2000xi32, #tpu.memory_space<vmem>>)
      tpu.yield
    }) : () -> ()
    %dma_start3A_48 = arith.constant 0 : i32
    %dma_start3A_49 = arith.constant 0 : i32
    %dma_start3A_50 = tpu.memref_slice %arg2[%dma_start3A_48, %dma_start3A_49] : memref<10240x16xf32, #tpu.memory_space<hbm>> -> memref<10240x16xf32, #tpu.memory_space<hbm>>
    tpu.enqueue_indirect_dma source(%dma_start3A_50 : memref<10240x16xf32, #tpu.memory_space<hbm>>) target(%arg9 : memref<2000x16xf32, #tpu.memory_space<vmem>>) offsets(%arg5 : memref<2000xi32, #tpu.memory_space<vmem>>) semaphore(%arg13 : memref<!tpu.dma_semaphore, #tpu.memory_space<semaphore_mem>>)
    %dma_wait3A_51 = arith.constant 0 : i32
    %dma_wait3A_52 = arith.constant 0 : i32
    %dma_wait3A_53 = tpu.memref_slice %arg2[%dma_wait3A_51, %dma_wait3A_52] : memref<10240x16xf32, #tpu.memory_space<hbm>> -> memref<10240x16xf32, #tpu.memory_space<hbm>>
    tpu.wait_indirect_dma semaphore(%arg14 : memref<!tpu.dma_semaphore, #tpu.memory_space<semaphore_mem>>) src(%dma_wait3A_53 : memref<10240x16xf32, #tpu.memory_space<hbm>>) dst(%arg10 : memref<2000x16xf32, #tpu.memory_space<vmem>>)
    "tpu.region"() ({
      %run_scoped3A_58 = tpu.sem_alloc : memref<!tpu.dma_semaphore, #tpu.memory_space<semaphore_mem>>
      %dma_start3A_59 = arith.constant 0 : i32
      %dma_start3A_60 = arith.constant 0 : i32
      %dma_start3A_61 = tpu.memref_slice %arg12[%dma_start3A_59, %dma_start3A_60] : memref<10240x16xf32, #tpu.memory_space<vmem_shared>> -> memref<10240x16xf32, #tpu.memory_space<vmem_shared>>
      tpu.enqueue_indirect_dma source(%arg10 : memref<2000x16xf32, #tpu.memory_space<vmem>>) target(%dma_start3A_61 : memref<10240x16xf32, #tpu.memory_space<vmem_shared>>) offsets(%arg8 : memref<2000xi32, #tpu.memory_space<vmem>>) semaphore(%run_scoped3A_58 : memref<!tpu.dma_semaphore, #tpu.memory_space<semaphore_mem>>) {add = true}
      %dma_wait3A_62 = arith.constant 0 : i32
      %dma_wait3A_63 = arith.constant 0 : i32
      %dma_wait3A_64 = tpu.memref_slice %arg12[%dma_wait3A_62, %dma_wait3A_63] : memref<10240x16xf32, #tpu.memory_space<vmem_shared>> -> memref<10240x16xf32, #tpu.memory_space<vmem_shared>>
      tpu.wait_indirect_dma semaphore(%run_scoped3A_58 : memref<!tpu.dma_semaphore, #tpu.memory_space<semaphore_mem>>) src(%arg10 : memref<2000x16xf32, #tpu.memory_space<vmem>>) dst(%dma_wait3A_64 : memref<10240x16xf32, #tpu.memory_space<vmem_shared>>)
      tpu.yield
    }) : () -> ()
    %dma_wait3A_54 = arith.constant 0 : i32
    %dma_wait3A_55 = arith.constant 0 : i32
    %dma_wait3A_56 = tpu.memref_slice %arg2[%dma_wait3A_54, %dma_wait3A_55] : memref<10240x16xf32, #tpu.memory_space<hbm>> -> memref<10240x16xf32, #tpu.memory_space<hbm>>
    tpu.wait_indirect_dma semaphore(%arg13 : memref<!tpu.dma_semaphore, #tpu.memory_space<semaphore_mem>>) src(%dma_wait3A_56 : memref<10240x16xf32, #tpu.memory_space<hbm>>) dst(%arg9 : memref<2000x16xf32, #tpu.memory_space<vmem>>)
    "tpu.region"() ({
      %run_scoped3A_58 = tpu.sem_alloc : memref<!tpu.dma_semaphore, #tpu.memory_space<semaphore_mem>>
      %dma_start3A_59 = arith.constant 0 : i32
      %dma_start3A_60 = arith.constant 0 : i32
      %dma_start3A_61 = tpu.memref_slice %arg12[%dma_start3A_59, %dma_start3A_60] : memref<10240x16xf32, #tpu.memory_space<vmem_shared>> -> memref<10240x16xf32, #tpu.memory_space<vmem_shared>>
      tpu.enqueue_indirect_dma source(%arg9 : memref<2000x16xf32, #tpu.memory_space<vmem>>) target(%dma_start3A_61 : memref<10240x16xf32, #tpu.memory_space<vmem_shared>>) offsets(%arg6 : memref<2000xi32, #tpu.memory_space<vmem>>) semaphore(%run_scoped3A_58 : memref<!tpu.dma_semaphore, #tpu.memory_space<semaphore_mem>>) {add = true}
      %dma_wait3A_62 = arith.constant 0 : i32
      %dma_wait3A_63 = arith.constant 0 : i32
      %dma_wait3A_64 = tpu.memref_slice %arg12[%dma_wait3A_62, %dma_wait3A_63] : memref<10240x16xf32, #tpu.memory_space<vmem_shared>> -> memref<10240x16xf32, #tpu.memory_space<vmem_shared>>
      tpu.wait_indirect_dma semaphore(%run_scoped3A_58 : memref<!tpu.dma_semaphore, #tpu.memory_space<semaphore_mem>>) src(%arg9 : memref<2000x16xf32, #tpu.memory_space<vmem>>) dst(%dma_wait3A_64 : memref<10240x16xf32, #tpu.memory_space<vmem_shared>>)
      tpu.yield
    }) : () -> ()
    %barrier3A_57 = arith.constant 0 : index
    tpu.barrier barrier_id(%barrier3A_57)
    "tpu.region"() ({
      %run_scoped3A_58 = tpu.sem_alloc : memref<!tpu.dma_semaphore, #tpu.memory_space<semaphore_mem>>
      %dma_start3A_59 = arith.constant 0 : i32
      %dma_start3A_60 = tpu.memref_slice %arg4[%arg0, %mul3A_2, %dma_start3A_59] : memref<2x10240x16xf32, #tpu.memory_space<hbm>> -> memref<1x640x16xf32, #tpu.memory_space<hbm>>
      %dma_start3A_61 = tpu.memref_squeeze %dma_start3A_60 : memref<1x640x16xf32, #tpu.memory_space<hbm>> -> memref<640x16xf32, #tpu.memory_space<hbm>>
      %dma_start3A_62 = arith.constant 0 : i32
      %dma_start3A_63 = tpu.memref_slice %arg12[%mul3A_2, %dma_start3A_62] : memref<10240x16xf32, #tpu.memory_space<vmem_shared>> -> memref<640x16xf32, #tpu.memory_space<vmem_shared>>
      tpu.enqueue_dma source(%dma_start3A_63 : memref<640x16xf32, #tpu.memory_space<vmem_shared>>) target(%dma_start3A_61 : memref<640x16xf32, #tpu.memory_space<hbm>>) target_semaphore(%run_scoped3A_58 : memref<!tpu.dma_semaphore, #tpu.memory_space<semaphore_mem>>)
      %dma_wait3A_64 = arith.constant 0 : i32
      %dma_wait3A_65 = tpu.memref_slice %arg4[%arg0, %mul3A_2, %dma_wait3A_64] : memref<2x10240x16xf32, #tpu.memory_space<hbm>> -> memref<1x640x16xf32, #tpu.memory_space<hbm>>
      %dma_wait3A_66 = tpu.memref_squeeze %dma_wait3A_65 : memref<1x640x16xf32, #tpu.memory_space<hbm>> -> memref<640x16xf32, #tpu.memory_space<hbm>>
      %dma_wait3A_67 = arith.constant 0 : i32
      %dma_wait3A_68 = tpu.memref_slice %arg12[%mul3A_2, %dma_wait3A_67] : memref<10240x16xf32, #tpu.memory_space<vmem_shared>> -> memref<640x16xf32, #tpu.memory_space<vmem_shared>>
      tpu.wait_dma2 semaphore(%run_scoped3A_58 : memref<!tpu.dma_semaphore, #tpu.memory_space<semaphore_mem>>) src(%dma_wait3A_68 : memref<640x16xf32, #tpu.memory_space<vmem_shared>>) dst(%dma_wait3A_66 : memref<640x16xf32, #tpu.memory_space<hbm>>)
      tpu.yield
    }) : () -> ()
    return
  }
}

#map = affine_map<(d0, d1) -> (0, 0)>
#map1 = affine_map<(d0, d1) -> (0, 0, 0)>
module attributes {stable_mosaic.version = 14 : i64} {
  func.func @_sc_agg(%arg0: i32, %arg1: i32, %arg2: memref<10240x16xf32, #tpu.memory_space<hbm>>, %arg3: memref<2x320000xi32, #tpu.memory_space<hbm>>, %arg4: memref<2x10240x16xf32, #tpu.memory_space<hbm>>, %arg5: memref<2000xi32, #tpu.memory_space<vmem>>, %arg6: memref<2000xi32, #tpu.memory_space<vmem>>, %arg7: memref<2000xi32, #tpu.memory_space<vmem>>, %arg8: memref<2000xi32, #tpu.memory_space<vmem>>, %arg9: memref<2000x16xf32, #tpu.memory_space<vmem>>, %arg10: memref<2000x16xf32, #tpu.memory_space<vmem>>, %arg11: memref<640x16xf32, #tpu.memory_space<vmem>>, %arg12: memref<10240x16xf32, #tpu.memory_space<vmem_shared>>, %arg13: memref<!tpu.dma_semaphore, #tpu.memory_space<semaphore_mem>>, %arg14: memref<!tpu.dma_semaphore, #tpu.memory_space<semaphore_mem>>) attributes {dimension_semantics = [#tpu.dimension_semantics<core_parallel>, #tpu.dimension_semantics<subcore_parallel>], iteration_bounds = array<i64: 2, 16>, scalar_prefetch = 0 : i64, scratch_operands = 10 : i64, tpu.core_type = #tpu.core_type<sc_vector_subcore>, window_params = [{transform_indices = #map}, {transform_indices = #map}, {transform_indices = #map1}]} {
    %mul3A = arith.constant 16 : i32
    %mul3A_0 = arith.muli %arg0, %mul3A : i32
    %add3A = arith.addi %mul3A_0, %arg1 : i32
    %mul3A_1 = arith.constant 640 : i32
    %mul3A_2 = arith.muli %arg1, %mul3A_1 : i32
    %mul3A_3 = arith.constant 10000 : i32
    %mul3A_4 = arith.muli %add3A, %mul3A_3 : i32
    %scan3A = arith.constant 0 : i32
    %scan3A_5 = arith.constant 0 : i32
    %scan3A_6 = arith.constant 80 : i32
    %scan3A_7 = arith.addi %scan3A_5, %scan3A_6 : i32
    %scan3A_8 = arith.constant 1 : i32
    scf.for %scan3A_58 = %scan3A_5 to %scan3A_7 step %scan3A_8  : i32 {
      %broadcast_in_dim3A = arith.constant 0.000000e+00 : f32
      %broadcast_in_dim3A_59 = vector.broadcast %broadcast_in_dim3A : f32 to vector<16xf32>
      %mul3A_60 = arith.constant 8 : i32
      %mul3A_61 = arith.muli %scan3A_58, %mul3A_60 : i32
      %add3A_62 = arith.constant 0 : i32
      %add3A_63 = arith.addi %mul3A_61, %add3A_62 : i32
      %swap3A = arith.index_cast %add3A_63 : i32 to index
      %swap3A_64 = arith.constant 0 : index
      %swap3A_65 = tpu.vector_load %arg11[%swap3A, %swap3A_64] {strides = array<i32>} : memref<640x16xf32, #tpu.memory_space<vmem>>, vector<1x16xf32>,
      %swap3A_66 = vector.shape_cast %swap3A_65 : vector<1x16xf32> to vector<16xf32>
      %swap3A_67 = vector.shape_cast %broadcast_in_dim3A_59 : vector<16xf32> to vector<1x16xf32>
      tpu.vector_store %arg11[%swap3A, %swap3A_64], %swap3A_67 {strides = array<i32>} : memref<640x16xf32, #tpu.memory_space<vmem>>, vector<1x16xf32>,
      %broadcast_in_dim3A_68 = arith.constant 0.000000e+00 : f32
      %broadcast_in_dim3A_69 = vector.broadcast %broadcast_in_dim3A_68 : f32 to vector<16xf32>
      %mul3A_70 = arith.constant 8 : i32
      %mul3A_71 = arith.muli %scan3A_58, %mul3A_70 : i32
      %add3A_72 = arith.constant 1 : i32
      %add3A_73 = arith.addi %mul3A_71, %add3A_72 : i32
      %swap3A_74 = arith.index_cast %add3A_73 : i32 to index
      %swap3A_75 = arith.constant 0 : index
      %swap3A_76 = tpu.vector_load %arg11[%swap3A_74, %swap3A_75] {strides = array<i32>} : memref<640x16xf32, #tpu.memory_space<vmem>>, vector<1x16xf32>,
      %swap3A_77 = vector.shape_cast %swap3A_76 : vector<1x16xf32> to vector<16xf32>
      %swap3A_78 = vector.shape_cast %broadcast_in_dim3A_69 : vector<16xf32> to vector<1x16xf32>
      tpu.vector_store %arg11[%swap3A_74, %swap3A_75], %swap3A_78 {strides = array<i32>} : memref<640x16xf32, #tpu.memory_space<vmem>>, vector<1x16xf32>,
      %broadcast_in_dim3A_79 = arith.constant 0.000000e+00 : f32
      %broadcast_in_dim3A_80 = vector.broadcast %broadcast_in_dim3A_79 : f32 to vector<16xf32>
      %mul3A_81 = arith.constant 8 : i32
      %mul3A_82 = arith.muli %scan3A_58, %mul3A_81 : i32
      %add3A_83 = arith.constant 2 : i32
      %add3A_84 = arith.addi %mul3A_82, %add3A_83 : i32
      %swap3A_85 = arith.index_cast %add3A_84 : i32 to index
      %swap3A_86 = arith.constant 0 : index
      %swap3A_87 = tpu.vector_load %arg11[%swap3A_85, %swap3A_86] {strides = array<i32>} : memref<640x16xf32, #tpu.memory_space<vmem>>, vector<1x16xf32>,
      %swap3A_88 = vector.shape_cast %swap3A_87 : vector<1x16xf32> to vector<16xf32>
      %swap3A_89 = vector.shape_cast %broadcast_in_dim3A_80 : vector<16xf32> to vector<1x16xf32>
      tpu.vector_store %arg11[%swap3A_85, %swap3A_86], %swap3A_89 {strides = array<i32>} : memref<640x16xf32, #tpu.memory_space<vmem>>, vector<1x16xf32>,
      %broadcast_in_dim3A_90 = arith.constant 0.000000e+00 : f32
      %broadcast_in_dim3A_91 = vector.broadcast %broadcast_in_dim3A_90 : f32 to vector<16xf32>
      %mul3A_92 = arith.constant 8 : i32
      %mul3A_93 = arith.muli %scan3A_58, %mul3A_92 : i32
      %add3A_94 = arith.constant 3 : i32
      %add3A_95 = arith.addi %mul3A_93, %add3A_94 : i32
      %swap3A_96 = arith.index_cast %add3A_95 : i32 to index
      %swap3A_97 = arith.constant 0 : index
      %swap3A_98 = tpu.vector_load %arg11[%swap3A_96, %swap3A_97] {strides = array<i32>} : memref<640x16xf32, #tpu.memory_space<vmem>>, vector<1x16xf32>,
      %swap3A_99 = vector.shape_cast %swap3A_98 : vector<1x16xf32> to vector<16xf32>
      %swap3A_100 = vector.shape_cast %broadcast_in_dim3A_91 : vector<16xf32> to vector<1x16xf32>
      tpu.vector_store %arg11[%swap3A_96, %swap3A_97], %swap3A_100 {strides = array<i32>} : memref<640x16xf32, #tpu.memory_space<vmem>>, vector<1x16xf32>,
      %broadcast_in_dim3A_101 = arith.constant 0.000000e+00 : f32
      %broadcast_in_dim3A_102 = vector.broadcast %broadcast_in_dim3A_101 : f32 to vector<16xf32>
      %mul3A_103 = arith.constant 8 : i32
      %mul3A_104 = arith.muli %scan3A_58, %mul3A_103 : i32
      %add3A_105 = arith.constant 4 : i32
      %add3A_106 = arith.addi %mul3A_104, %add3A_105 : i32
      %swap3A_107 = arith.index_cast %add3A_106 : i32 to index
      %swap3A_108 = arith.constant 0 : index
      %swap3A_109 = tpu.vector_load %arg11[%swap3A_107, %swap3A_108] {strides = array<i32>} : memref<640x16xf32, #tpu.memory_space<vmem>>, vector<1x16xf32>,
      %swap3A_110 = vector.shape_cast %swap3A_109 : vector<1x16xf32> to vector<16xf32>
      %swap3A_111 = vector.shape_cast %broadcast_in_dim3A_102 : vector<16xf32> to vector<1x16xf32>
      tpu.vector_store %arg11[%swap3A_107, %swap3A_108], %swap3A_111 {strides = array<i32>} : memref<640x16xf32, #tpu.memory_space<vmem>>, vector<1x16xf32>,
      %broadcast_in_dim3A_112 = arith.constant 0.000000e+00 : f32
      %broadcast_in_dim3A_113 = vector.broadcast %broadcast_in_dim3A_112 : f32 to vector<16xf32>
      %mul3A_114 = arith.constant 8 : i32
      %mul3A_115 = arith.muli %scan3A_58, %mul3A_114 : i32
      %add3A_116 = arith.constant 5 : i32
      %add3A_117 = arith.addi %mul3A_115, %add3A_116 : i32
      %swap3A_118 = arith.index_cast %add3A_117 : i32 to index
      %swap3A_119 = arith.constant 0 : index
      %swap3A_120 = tpu.vector_load %arg11[%swap3A_118, %swap3A_119] {strides = array<i32>} : memref<640x16xf32, #tpu.memory_space<vmem>>, vector<1x16xf32>,
      %swap3A_121 = vector.shape_cast %swap3A_120 : vector<1x16xf32> to vector<16xf32>
      %swap3A_122 = vector.shape_cast %broadcast_in_dim3A_113 : vector<16xf32> to vector<1x16xf32>
      tpu.vector_store %arg11[%swap3A_118, %swap3A_119], %swap3A_122 {strides = array<i32>} : memref<640x16xf32, #tpu.memory_space<vmem>>, vector<1x16xf32>,
      %broadcast_in_dim3A_123 = arith.constant 0.000000e+00 : f32
      %broadcast_in_dim3A_124 = vector.broadcast %broadcast_in_dim3A_123 : f32 to vector<16xf32>
      %mul3A_125 = arith.constant 8 : i32
      %mul3A_126 = arith.muli %scan3A_58, %mul3A_125 : i32
      %add3A_127 = arith.constant 6 : i32
      %add3A_128 = arith.addi %mul3A_126, %add3A_127 : i32
      %swap3A_129 = arith.index_cast %add3A_128 : i32 to index
      %swap3A_130 = arith.constant 0 : index
      %swap3A_131 = tpu.vector_load %arg11[%swap3A_129, %swap3A_130] {strides = array<i32>} : memref<640x16xf32, #tpu.memory_space<vmem>>, vector<1x16xf32>,
      %swap3A_132 = vector.shape_cast %swap3A_131 : vector<1x16xf32> to vector<16xf32>
      %swap3A_133 = vector.shape_cast %broadcast_in_dim3A_124 : vector<16xf32> to vector<1x16xf32>
      tpu.vector_store %arg11[%swap3A_129, %swap3A_130], %swap3A_133 {strides = array<i32>} : memref<640x16xf32, #tpu.memory_space<vmem>>, vector<1x16xf32>,
      %broadcast_in_dim3A_134 = arith.constant 0.000000e+00 : f32
      %broadcast_in_dim3A_135 = vector.broadcast %broadcast_in_dim3A_134 : f32 to vector<16xf32>
      %mul3A_136 = arith.constant 8 : i32
      %mul3A_137 = arith.muli %scan3A_58, %mul3A_136 : i32
      %add3A_138 = arith.constant 7 : i32
      %add3A_139 = arith.addi %mul3A_137, %add3A_138 : i32
      %swap3A_140 = arith.index_cast %add3A_139 : i32 to index
      %swap3A_141 = arith.constant 0 : index
      %swap3A_142 = tpu.vector_load %arg11[%swap3A_140, %swap3A_141] {strides = array<i32>} : memref<640x16xf32, #tpu.memory_space<vmem>>, vector<1x16xf32>,
      %swap3A_143 = vector.shape_cast %swap3A_142 : vector<1x16xf32> to vector<16xf32>
      %swap3A_144 = vector.shape_cast %broadcast_in_dim3A_135 : vector<16xf32> to vector<1x16xf32>
      tpu.vector_store %arg11[%swap3A_140, %swap3A_141], %swap3A_144 {strides = array<i32>} : memref<640x16xf32, #tpu.memory_space<vmem>>, vector<1x16xf32>,
    }
    %scan3A_9 = arith.constant 80 : i32
    "tpu.region"() ({
      %run_scoped3A_58 = tpu.sem_alloc : memref<!tpu.dma_semaphore, #tpu.memory_space<semaphore_mem>>
      %dma_start3A_59 = arith.constant 0 : i32
      %dma_start3A_60 = tpu.memref_slice %arg12[%mul3A_2, %dma_start3A_59] : memref<10240x16xf32, #tpu.memory_space<vmem_shared>> -> memref<640x16xf32, #tpu.memory_space<vmem_shared>>
      %dma_start3A_61 = arith.constant 0 : i32
      %dma_start3A_62 = tpu.memref_slice %arg12[%mul3A_2, %dma_start3A_61] : memref<10240x16xf32, #tpu.memory_space<vmem_shared>> -> memref<640x16xf32, #tpu.memory_space<vmem_shared>>
      tpu.enqueue_dma source(%arg11 : memref<640x16xf32, #tpu.memory_space<vmem>>) target(%dma_start3A_62 : memref<640x16xf32, #tpu.memory_space<vmem_shared>>) target_semaphore(%run_scoped3A_58 : memref<!tpu.dma_semaphore, #tpu.memory_space<semaphore_mem>>)
      %dma_wait3A_63 = arith.constant 0 : i32
      %dma_wait3A_64 = tpu.memref_slice %arg12[%mul3A_2, %dma_wait3A_63] : memref<10240x16xf32, #tpu.memory_space<vmem_shared>> -> memref<640x16xf32, #tpu.memory_space<vmem_shared>>
      %dma_wait3A_65 = arith.constant 0 : i32
      %dma_wait3A_66 = tpu.memref_slice %arg12[%mul3A_2, %dma_wait3A_65] : memref<10240x16xf32, #tpu.memory_space<vmem_shared>> -> memref<640x16xf32, #tpu.memory_space<vmem_shared>>
      tpu.wait_dma2 semaphore(%run_scoped3A_58 : memref<!tpu.dma_semaphore, #tpu.memory_space<semaphore_mem>>) src(%arg11 : memref<640x16xf32, #tpu.memory_space<vmem>>) dst(%dma_wait3A_66 : memref<640x16xf32, #tpu.memory_space<vmem_shared>>)
      tpu.yield
    }) : () -> ()
    %barrier3A = arith.constant 0 : index
    tpu.barrier barrier_id(%barrier3A)
    %add3A_10 = arith.constant 0 : i32
    %add3A_11 = arith.addi %mul3A_4, %add3A_10 : i32
    %run_scoped3A = arith.constant 0 : i32
    "tpu.region"() ({
      %run_scoped3A_58 = tpu.sem_alloc : memref<!tpu.dma_semaphore, #tpu.memory_space<semaphore_mem>>
      %dma_start3A_59 = tpu.memref_slice %arg3[%run_scoped3A, %add3A_11] : memref<2x320000xi32, #tpu.memory_space<hbm>> -> memref<1x2000xi32, #tpu.memory_space<hbm>>
      %dma_start3A_60 = tpu.memref_squeeze %dma_start3A_59 : memref<1x2000xi32, #tpu.memory_space<hbm>> -> memref<2000xi32, #tpu.memory_space<hbm>>
      %dma_start3A_61 = tpu.memref_slice %arg3[%run_scoped3A, %add3A_11] : memref<2x320000xi32, #tpu.memory_space<hbm>> -> memref<1x2000xi32, #tpu.memory_space<hbm>>
      %dma_start3A_62 = tpu.memref_squeeze %dma_start3A_61 : memref<1x2000xi32, #tpu.memory_space<hbm>> -> memref<2000xi32, #tpu.memory_space<hbm>>
      tpu.enqueue_dma source(%dma_start3A_62 : memref<2000xi32, #tpu.memory_space<hbm>>) target(%arg5 : memref<2000xi32, #tpu.memory_space<vmem>>) target_semaphore(%run_scoped3A_58 : memref<!tpu.dma_semaphore, #tpu.memory_space<semaphore_mem>>)
      %dma_wait3A_63 = tpu.memref_slice %arg3[%run_scoped3A, %add3A_11] : memref<2x320000xi32, #tpu.memory_space<hbm>> -> memref<1x2000xi32, #tpu.memory_space<hbm>>
      %dma_wait3A_64 = tpu.memref_squeeze %dma_wait3A_63 : memref<1x2000xi32, #tpu.memory_space<hbm>> -> memref<2000xi32, #tpu.memory_space<hbm>>
      %dma_wait3A_65 = tpu.memref_slice %arg3[%run_scoped3A, %add3A_11] : memref<2x320000xi32, #tpu.memory_space<hbm>> -> memref<1x2000xi32, #tpu.memory_space<hbm>>
      %dma_wait3A_66 = tpu.memref_squeeze %dma_wait3A_65 : memref<1x2000xi32, #tpu.memory_space<hbm>> -> memref<2000xi32, #tpu.memory_space<hbm>>
      tpu.wait_dma2 semaphore(%run_scoped3A_58 : memref<!tpu.dma_semaphore, #tpu.memory_space<semaphore_mem>>) src(%dma_wait3A_66 : memref<2000xi32, #tpu.memory_space<hbm>>) dst(%arg5 : memref<2000xi32, #tpu.memory_space<vmem>>)
      tpu.yield
    }) : () -> ()
    %run_scoped3A_12 = arith.constant 1 : i32
    "tpu.region"() ({
      %run_scoped3A_58 = tpu.sem_alloc : memref<!tpu.dma_semaphore, #tpu.memory_space<semaphore_mem>>
      %dma_start3A_59 = tpu.memref_slice %arg3[%run_scoped3A_12, %add3A_11] : memref<2x320000xi32, #tpu.memory_space<hbm>> -> memref<1x2000xi32, #tpu.memory_space<hbm>>
      %dma_start3A_60 = tpu.memref_squeeze %dma_start3A_59 : memref<1x2000xi32, #tpu.memory_space<hbm>> -> memref<2000xi32, #tpu.memory_space<hbm>>
      %dma_start3A_61 = tpu.memref_slice %arg3[%run_scoped3A_12, %add3A_11] : memref<2x320000xi32, #tpu.memory_space<hbm>> -> memref<1x2000xi32, #tpu.memory_space<hbm>>
      %dma_start3A_62 = tpu.memref_squeeze %dma_start3A_61 : memref<1x2000xi32, #tpu.memory_space<hbm>> -> memref<2000xi32, #tpu.memory_space<hbm>>
      tpu.enqueue_dma source(%dma_start3A_62 : memref<2000xi32, #tpu.memory_space<hbm>>) target(%arg6 : memref<2000xi32, #tpu.memory_space<vmem>>) target_semaphore(%run_scoped3A_58 : memref<!tpu.dma_semaphore, #tpu.memory_space<semaphore_mem>>)
      %dma_wait3A_63 = tpu.memref_slice %arg3[%run_scoped3A_12, %add3A_11] : memref<2x320000xi32, #tpu.memory_space<hbm>> -> memref<1x2000xi32, #tpu.memory_space<hbm>>
      %dma_wait3A_64 = tpu.memref_squeeze %dma_wait3A_63 : memref<1x2000xi32, #tpu.memory_space<hbm>> -> memref<2000xi32, #tpu.memory_space<hbm>>
      %dma_wait3A_65 = tpu.memref_slice %arg3[%run_scoped3A_12, %add3A_11] : memref<2x320000xi32, #tpu.memory_space<hbm>> -> memref<1x2000xi32, #tpu.memory_space<hbm>>
      %dma_wait3A_66 = tpu.memref_squeeze %dma_wait3A_65 : memref<1x2000xi32, #tpu.memory_space<hbm>> -> memref<2000xi32, #tpu.memory_space<hbm>>
      tpu.wait_dma2 semaphore(%run_scoped3A_58 : memref<!tpu.dma_semaphore, #tpu.memory_space<semaphore_mem>>) src(%dma_wait3A_66 : memref<2000xi32, #tpu.memory_space<hbm>>) dst(%arg6 : memref<2000xi32, #tpu.memory_space<vmem>>)
      tpu.yield
    }) : () -> ()
    %dma_start3A = arith.constant 0 : i32
    %dma_start3A_13 = arith.constant 0 : i32
    %dma_start3A_14 = tpu.memref_slice %arg2[%dma_start3A, %dma_start3A_13] : memref<10240x16xf32, #tpu.memory_space<hbm>> -> memref<10240x16xf32, #tpu.memory_space<hbm>>
    tpu.enqueue_indirect_dma source(%dma_start3A_14 : memref<10240x16xf32, #tpu.memory_space<hbm>>) target(%arg9 : memref<2000x16xf32, #tpu.memory_space<vmem>>) offsets(%arg5 : memref<2000xi32, #tpu.memory_space<vmem>>) semaphore(%arg13 : memref<!tpu.dma_semaphore, #tpu.memory_space<semaphore_mem>>)
    %add3A_15 = arith.constant 2000 : i32
    %add3A_16 = arith.addi %mul3A_4, %add3A_15 : i32
    %run_scoped3A_17 = arith.constant 0 : i32
    "tpu.region"() ({
      %run_scoped3A_58 = tpu.sem_alloc : memref<!tpu.dma_semaphore, #tpu.memory_space<semaphore_mem>>
      %dma_start3A_59 = tpu.memref_slice %arg3[%run_scoped3A_17, %add3A_16] : memref<2x320000xi32, #tpu.memory_space<hbm>> -> memref<1x2000xi32, #tpu.memory_space<hbm>>
      %dma_start3A_60 = tpu.memref_squeeze %dma_start3A_59 : memref<1x2000xi32, #tpu.memory_space<hbm>> -> memref<2000xi32, #tpu.memory_space<hbm>>
      %dma_start3A_61 = tpu.memref_slice %arg3[%run_scoped3A_17, %add3A_16] : memref<2x320000xi32, #tpu.memory_space<hbm>> -> memref<1x2000xi32, #tpu.memory_space<hbm>>
      %dma_start3A_62 = tpu.memref_squeeze %dma_start3A_61 : memref<1x2000xi32, #tpu.memory_space<hbm>> -> memref<2000xi32, #tpu.memory_space<hbm>>
      tpu.enqueue_dma source(%dma_start3A_62 : memref<2000xi32, #tpu.memory_space<hbm>>) target(%arg7 : memref<2000xi32, #tpu.memory_space<vmem>>) target_semaphore(%run_scoped3A_58 : memref<!tpu.dma_semaphore, #tpu.memory_space<semaphore_mem>>)
      %dma_wait3A_63 = tpu.memref_slice %arg3[%run_scoped3A_17, %add3A_16] : memref<2x320000xi32, #tpu.memory_space<hbm>> -> memref<1x2000xi32, #tpu.memory_space<hbm>>
      %dma_wait3A_64 = tpu.memref_squeeze %dma_wait3A_63 : memref<1x2000xi32, #tpu.memory_space<hbm>> -> memref<2000xi32, #tpu.memory_space<hbm>>
      %dma_wait3A_65 = tpu.memref_slice %arg3[%run_scoped3A_17, %add3A_16] : memref<2x320000xi32, #tpu.memory_space<hbm>> -> memref<1x2000xi32, #tpu.memory_space<hbm>>
      %dma_wait3A_66 = tpu.memref_squeeze %dma_wait3A_65 : memref<1x2000xi32, #tpu.memory_space<hbm>> -> memref<2000xi32, #tpu.memory_space<hbm>>
      tpu.wait_dma2 semaphore(%run_scoped3A_58 : memref<!tpu.dma_semaphore, #tpu.memory_space<semaphore_mem>>) src(%dma_wait3A_66 : memref<2000xi32, #tpu.memory_space<hbm>>) dst(%arg7 : memref<2000xi32, #tpu.memory_space<vmem>>)
      tpu.yield
    }) : () -> ()
    %run_scoped3A_18 = arith.constant 1 : i32
    "tpu.region"() ({
      %run_scoped3A_58 = tpu.sem_alloc : memref<!tpu.dma_semaphore, #tpu.memory_space<semaphore_mem>>
      %dma_start3A_59 = tpu.memref_slice %arg3[%run_scoped3A_18, %add3A_16] : memref<2x320000xi32, #tpu.memory_space<hbm>> -> memref<1x2000xi32, #tpu.memory_space<hbm>>
      %dma_start3A_60 = tpu.memref_squeeze %dma_start3A_59 : memref<1x2000xi32, #tpu.memory_space<hbm>> -> memref<2000xi32, #tpu.memory_space<hbm>>
      %dma_start3A_61 = tpu.memref_slice %arg3[%run_scoped3A_18, %add3A_16] : memref<2x320000xi32, #tpu.memory_space<hbm>> -> memref<1x2000xi32, #tpu.memory_space<hbm>>
      %dma_start3A_62 = tpu.memref_squeeze %dma_start3A_61 : memref<1x2000xi32, #tpu.memory_space<hbm>> -> memref<2000xi32, #tpu.memory_space<hbm>>
      tpu.enqueue_dma source(%dma_start3A_62 : memref<2000xi32, #tpu.memory_space<hbm>>) target(%arg8 : memref<2000xi32, #tpu.memory_space<vmem>>) target_semaphore(%run_scoped3A_58 : memref<!tpu.dma_semaphore, #tpu.memory_space<semaphore_mem>>)
      %dma_wait3A_63 = tpu.memref_slice %arg3[%run_scoped3A_18, %add3A_16] : memref<2x320000xi32, #tpu.memory_space<hbm>> -> memref<1x2000xi32, #tpu.memory_space<hbm>>
      %dma_wait3A_64 = tpu.memref_squeeze %dma_wait3A_63 : memref<1x2000xi32, #tpu.memory_space<hbm>> -> memref<2000xi32, #tpu.memory_space<hbm>>
      %dma_wait3A_65 = tpu.memref_slice %arg3[%run_scoped3A_18, %add3A_16] : memref<2x320000xi32, #tpu.memory_space<hbm>> -> memref<1x2000xi32, #tpu.memory_space<hbm>>
      %dma_wait3A_66 = tpu.memref_squeeze %dma_wait3A_65 : memref<1x2000xi32, #tpu.memory_space<hbm>> -> memref<2000xi32, #tpu.memory_space<hbm>>
      tpu.wait_dma2 semaphore(%run_scoped3A_58 : memref<!tpu.dma_semaphore, #tpu.memory_space<semaphore_mem>>) src(%dma_wait3A_66 : memref<2000xi32, #tpu.memory_space<hbm>>) dst(%arg8 : memref<2000xi32, #tpu.memory_space<vmem>>)
      tpu.yield
    }) : () -> ()
    %dma_start3A_19 = arith.constant 0 : i32
    %dma_start3A_20 = arith.constant 0 : i32
    %dma_start3A_21 = tpu.memref_slice %arg2[%dma_start3A_19, %dma_start3A_20] : memref<10240x16xf32, #tpu.memory_space<hbm>> -> memref<10240x16xf32, #tpu.memory_space<hbm>>
    tpu.enqueue_indirect_dma source(%dma_start3A_21 : memref<10240x16xf32, #tpu.memory_space<hbm>>) target(%arg10 : memref<2000x16xf32, #tpu.memory_space<vmem>>) offsets(%arg7 : memref<2000xi32, #tpu.memory_space<vmem>>) semaphore(%arg14 : memref<!tpu.dma_semaphore, #tpu.memory_space<semaphore_mem>>)
    %dma_wait3A = arith.constant 0 : i32
    %dma_wait3A_22 = arith.constant 0 : i32
    %dma_wait3A_23 = tpu.memref_slice %arg2[%dma_wait3A, %dma_wait3A_22] : memref<10240x16xf32, #tpu.memory_space<hbm>> -> memref<10240x16xf32, #tpu.memory_space<hbm>>
    tpu.wait_indirect_dma semaphore(%arg13 : memref<!tpu.dma_semaphore, #tpu.memory_space<semaphore_mem>>) src(%dma_wait3A_23 : memref<10240x16xf32, #tpu.memory_space<hbm>>) dst(%arg9 : memref<2000x16xf32, #tpu.memory_space<vmem>>)
    "tpu.region"() ({
      %run_scoped3A_58 = tpu.sem_alloc : memref<!tpu.dma_semaphore, #tpu.memory_space<semaphore_mem>>
      %dma_start3A_59 = arith.constant 0 : i32
      %dma_start3A_60 = arith.constant 0 : i32
      %dma_start3A_61 = tpu.memref_slice %arg12[%dma_start3A_59, %dma_start3A_60] : memref<10240x16xf32, #tpu.memory_space<vmem_shared>> -> memref<10240x16xf32, #tpu.memory_space<vmem_shared>>
      tpu.enqueue_indirect_dma source(%arg9 : memref<2000x16xf32, #tpu.memory_space<vmem>>) target(%dma_start3A_61 : memref<10240x16xf32, #tpu.memory_space<vmem_shared>>) offsets(%arg6 : memref<2000xi32, #tpu.memory_space<vmem>>) semaphore(%run_scoped3A_58 : memref<!tpu.dma_semaphore, #tpu.memory_space<semaphore_mem>>) {add = true}
      %dma_wait3A_62 = arith.constant 0 : i32
      %dma_wait3A_63 = arith.constant 0 : i32
      %dma_wait3A_64 = tpu.memref_slice %arg12[%dma_wait3A_62, %dma_wait3A_63] : memref<10240x16xf32, #tpu.memory_space<vmem_shared>> -> memref<10240x16xf32, #tpu.memory_space<vmem_shared>>
      tpu.wait_indirect_dma semaphore(%run_scoped3A_58 : memref<!tpu.dma_semaphore, #tpu.memory_space<semaphore_mem>>) src(%arg9 : memref<2000x16xf32, #tpu.memory_space<vmem>>) dst(%dma_wait3A_64 : memref<10240x16xf32, #tpu.memory_space<vmem_shared>>)
      tpu.yield
    }) : () -> ()
    %add3A_24 = arith.constant 4000 : i32
    %add3A_25 = arith.addi %mul3A_4, %add3A_24 : i32
    %run_scoped3A_26 = arith.constant 0 : i32
    "tpu.region"() ({
      %run_scoped3A_58 = tpu.sem_alloc : memref<!tpu.dma_semaphore, #tpu.memory_space<semaphore_mem>>
      %dma_start3A_59 = tpu.memref_slice %arg3[%run_scoped3A_26, %add3A_25] : memref<2x320000xi32, #tpu.memory_space<hbm>> -> memref<1x2000xi32, #tpu.memory_space<hbm>>
      %dma_start3A_60 = tpu.memref_squeeze %dma_start3A_59 : memref<1x2000xi32, #tpu.memory_space<hbm>> -> memref<2000xi32, #tpu.memory_space<hbm>>
      %dma_start3A_61 = tpu.memref_slice %arg3[%run_scoped3A_26, %add3A_25] : memref<2x320000xi32, #tpu.memory_space<hbm>> -> memref<1x2000xi32, #tpu.memory_space<hbm>>
      %dma_start3A_62 = tpu.memref_squeeze %dma_start3A_61 : memref<1x2000xi32, #tpu.memory_space<hbm>> -> memref<2000xi32, #tpu.memory_space<hbm>>
      tpu.enqueue_dma source(%dma_start3A_62 : memref<2000xi32, #tpu.memory_space<hbm>>) target(%arg5 : memref<2000xi32, #tpu.memory_space<vmem>>) target_semaphore(%run_scoped3A_58 : memref<!tpu.dma_semaphore, #tpu.memory_space<semaphore_mem>>)
      %dma_wait3A_63 = tpu.memref_slice %arg3[%run_scoped3A_26, %add3A_25] : memref<2x320000xi32, #tpu.memory_space<hbm>> -> memref<1x2000xi32, #tpu.memory_space<hbm>>
      %dma_wait3A_64 = tpu.memref_squeeze %dma_wait3A_63 : memref<1x2000xi32, #tpu.memory_space<hbm>> -> memref<2000xi32, #tpu.memory_space<hbm>>
      %dma_wait3A_65 = tpu.memref_slice %arg3[%run_scoped3A_26, %add3A_25] : memref<2x320000xi32, #tpu.memory_space<hbm>> -> memref<1x2000xi32, #tpu.memory_space<hbm>>
      %dma_wait3A_66 = tpu.memref_squeeze %dma_wait3A_65 : memref<1x2000xi32, #tpu.memory_space<hbm>> -> memref<2000xi32, #tpu.memory_space<hbm>>
      tpu.wait_dma2 semaphore(%run_scoped3A_58 : memref<!tpu.dma_semaphore, #tpu.memory_space<semaphore_mem>>) src(%dma_wait3A_66 : memref<2000xi32, #tpu.memory_space<hbm>>) dst(%arg5 : memref<2000xi32, #tpu.memory_space<vmem>>)
      tpu.yield
    }) : () -> ()
    %run_scoped3A_27 = arith.constant 1 : i32
    "tpu.region"() ({
      %run_scoped3A_58 = tpu.sem_alloc : memref<!tpu.dma_semaphore, #tpu.memory_space<semaphore_mem>>
      %dma_start3A_59 = tpu.memref_slice %arg3[%run_scoped3A_27, %add3A_25] : memref<2x320000xi32, #tpu.memory_space<hbm>> -> memref<1x2000xi32, #tpu.memory_space<hbm>>
      %dma_start3A_60 = tpu.memref_squeeze %dma_start3A_59 : memref<1x2000xi32, #tpu.memory_space<hbm>> -> memref<2000xi32, #tpu.memory_space<hbm>>
      %dma_start3A_61 = tpu.memref_slice %arg3[%run_scoped3A_27, %add3A_25] : memref<2x320000xi32, #tpu.memory_space<hbm>> -> memref<1x2000xi32, #tpu.memory_space<hbm>>
      %dma_start3A_62 = tpu.memref_squeeze %dma_start3A_61 : memref<1x2000xi32, #tpu.memory_space<hbm>> -> memref<2000xi32, #tpu.memory_space<hbm>>
      tpu.enqueue_dma source(%dma_start3A_62 : memref<2000xi32, #tpu.memory_space<hbm>>) target(%arg6 : memref<2000xi32, #tpu.memory_space<vmem>>) target_semaphore(%run_scoped3A_58 : memref<!tpu.dma_semaphore, #tpu.memory_space<semaphore_mem>>)
      %dma_wait3A_63 = tpu.memref_slice %arg3[%run_scoped3A_27, %add3A_25] : memref<2x320000xi32, #tpu.memory_space<hbm>> -> memref<1x2000xi32, #tpu.memory_space<hbm>>
      %dma_wait3A_64 = tpu.memref_squeeze %dma_wait3A_63 : memref<1x2000xi32, #tpu.memory_space<hbm>> -> memref<2000xi32, #tpu.memory_space<hbm>>
      %dma_wait3A_65 = tpu.memref_slice %arg3[%run_scoped3A_27, %add3A_25] : memref<2x320000xi32, #tpu.memory_space<hbm>> -> memref<1x2000xi32, #tpu.memory_space<hbm>>
      %dma_wait3A_66 = tpu.memref_squeeze %dma_wait3A_65 : memref<1x2000xi32, #tpu.memory_space<hbm>> -> memref<2000xi32, #tpu.memory_space<hbm>>
      tpu.wait_dma2 semaphore(%run_scoped3A_58 : memref<!tpu.dma_semaphore, #tpu.memory_space<semaphore_mem>>) src(%dma_wait3A_66 : memref<2000xi32, #tpu.memory_space<hbm>>) dst(%arg6 : memref<2000xi32, #tpu.memory_space<vmem>>)
      tpu.yield
    }) : () -> ()
    %dma_start3A_28 = arith.constant 0 : i32
    %dma_start3A_29 = arith.constant 0 : i32
    %dma_start3A_30 = tpu.memref_slice %arg2[%dma_start3A_28, %dma_start3A_29] : memref<10240x16xf32, #tpu.memory_space<hbm>> -> memref<10240x16xf32, #tpu.memory_space<hbm>>
    tpu.enqueue_indirect_dma source(%dma_start3A_30 : memref<10240x16xf32, #tpu.memory_space<hbm>>) target(%arg9 : memref<2000x16xf32, #tpu.memory_space<vmem>>) offsets(%arg5 : memref<2000xi32, #tpu.memory_space<vmem>>) semaphore(%arg13 : memref<!tpu.dma_semaphore, #tpu.memory_space<semaphore_mem>>)
    %dma_wait3A_31 = arith.constant 0 : i32
    %dma_wait3A_32 = arith.constant 0 : i32
    %dma_wait3A_33 = tpu.memref_slice %arg2[%dma_wait3A_31, %dma_wait3A_32] : memref<10240x16xf32, #tpu.memory_space<hbm>> -> memref<10240x16xf32, #tpu.memory_space<hbm>>
    tpu.wait_indirect_dma semaphore(%arg14 : memref<!tpu.dma_semaphore, #tpu.memory_space<semaphore_mem>>) src(%dma_wait3A_33 : memref<10240x16xf32, #tpu.memory_space<hbm>>) dst(%arg10 : memref<2000x16xf32, #tpu.memory_space<vmem>>)
    "tpu.region"() ({
      %run_scoped3A_58 = tpu.sem_alloc : memref<!tpu.dma_semaphore, #tpu.memory_space<semaphore_mem>>
      %dma_start3A_59 = arith.constant 0 : i32
      %dma_start3A_60 = arith.constant 0 : i32
      %dma_start3A_61 = tpu.memref_slice %arg12[%dma_start3A_59, %dma_start3A_60] : memref<10240x16xf32, #tpu.memory_space<vmem_shared>> -> memref<10240x16xf32, #tpu.memory_space<vmem_shared>>
      tpu.enqueue_indirect_dma source(%arg10 : memref<2000x16xf32, #tpu.memory_space<vmem>>) target(%dma_start3A_61 : memref<10240x16xf32, #tpu.memory_space<vmem_shared>>) offsets(%arg8 : memref<2000xi32, #tpu.memory_space<vmem>>) semaphore(%run_scoped3A_58 : memref<!tpu.dma_semaphore, #tpu.memory_space<semaphore_mem>>) {add = true}
      %dma_wait3A_62 = arith.constant 0 : i32
      %dma_wait3A_63 = arith.constant 0 : i32
      %dma_wait3A_64 = tpu.memref_slice %arg12[%dma_wait3A_62, %dma_wait3A_63] : memref<10240x16xf32, #tpu.memory_space<vmem_shared>> -> memref<10240x16xf32, #tpu.memory_space<vmem_shared>>
      tpu.wait_indirect_dma semaphore(%run_scoped3A_58 : memref<!tpu.dma_semaphore, #tpu.memory_space<semaphore_mem>>) src(%arg10 : memref<2000x16xf32, #tpu.memory_space<vmem>>) dst(%dma_wait3A_64 : memref<10240x16xf32, #tpu.memory_space<vmem_shared>>)
      tpu.yield
    }) : () -> ()
    %add3A_34 = arith.constant 6000 : i32
    %add3A_35 = arith.addi %mul3A_4, %add3A_34 : i32
    %run_scoped3A_36 = arith.constant 0 : i32
    "tpu.region"() ({
      %run_scoped3A_58 = tpu.sem_alloc : memref<!tpu.dma_semaphore, #tpu.memory_space<semaphore_mem>>
      %dma_start3A_59 = tpu.memref_slice %arg3[%run_scoped3A_36, %add3A_35] : memref<2x320000xi32, #tpu.memory_space<hbm>> -> memref<1x2000xi32, #tpu.memory_space<hbm>>
      %dma_start3A_60 = tpu.memref_squeeze %dma_start3A_59 : memref<1x2000xi32, #tpu.memory_space<hbm>> -> memref<2000xi32, #tpu.memory_space<hbm>>
      %dma_start3A_61 = tpu.memref_slice %arg3[%run_scoped3A_36, %add3A_35] : memref<2x320000xi32, #tpu.memory_space<hbm>> -> memref<1x2000xi32, #tpu.memory_space<hbm>>
      %dma_start3A_62 = tpu.memref_squeeze %dma_start3A_61 : memref<1x2000xi32, #tpu.memory_space<hbm>> -> memref<2000xi32, #tpu.memory_space<hbm>>
      tpu.enqueue_dma source(%dma_start3A_62 : memref<2000xi32, #tpu.memory_space<hbm>>) target(%arg7 : memref<2000xi32, #tpu.memory_space<vmem>>) target_semaphore(%run_scoped3A_58 : memref<!tpu.dma_semaphore, #tpu.memory_space<semaphore_mem>>)
      %dma_wait3A_63 = tpu.memref_slice %arg3[%run_scoped3A_36, %add3A_35] : memref<2x320000xi32, #tpu.memory_space<hbm>> -> memref<1x2000xi32, #tpu.memory_space<hbm>>
      %dma_wait3A_64 = tpu.memref_squeeze %dma_wait3A_63 : memref<1x2000xi32, #tpu.memory_space<hbm>> -> memref<2000xi32, #tpu.memory_space<hbm>>
      %dma_wait3A_65 = tpu.memref_slice %arg3[%run_scoped3A_36, %add3A_35] : memref<2x320000xi32, #tpu.memory_space<hbm>> -> memref<1x2000xi32, #tpu.memory_space<hbm>>
      %dma_wait3A_66 = tpu.memref_squeeze %dma_wait3A_65 : memref<1x2000xi32, #tpu.memory_space<hbm>> -> memref<2000xi32, #tpu.memory_space<hbm>>
      tpu.wait_dma2 semaphore(%run_scoped3A_58 : memref<!tpu.dma_semaphore, #tpu.memory_space<semaphore_mem>>) src(%dma_wait3A_66 : memref<2000xi32, #tpu.memory_space<hbm>>) dst(%arg7 : memref<2000xi32, #tpu.memory_space<vmem>>)
      tpu.yield
    }) : () -> ()
    %run_scoped3A_37 = arith.constant 1 : i32
    "tpu.region"() ({
      %run_scoped3A_58 = tpu.sem_alloc : memref<!tpu.dma_semaphore, #tpu.memory_space<semaphore_mem>>
      %dma_start3A_59 = tpu.memref_slice %arg3[%run_scoped3A_37, %add3A_35] : memref<2x320000xi32, #tpu.memory_space<hbm>> -> memref<1x2000xi32, #tpu.memory_space<hbm>>
      %dma_start3A_60 = tpu.memref_squeeze %dma_start3A_59 : memref<1x2000xi32, #tpu.memory_space<hbm>> -> memref<2000xi32, #tpu.memory_space<hbm>>
      %dma_start3A_61 = tpu.memref_slice %arg3[%run_scoped3A_37, %add3A_35] : memref<2x320000xi32, #tpu.memory_space<hbm>> -> memref<1x2000xi32, #tpu.memory_space<hbm>>
      %dma_start3A_62 = tpu.memref_squeeze %dma_start3A_61 : memref<1x2000xi32, #tpu.memory_space<hbm>> -> memref<2000xi32, #tpu.memory_space<hbm>>
      tpu.enqueue_dma source(%dma_start3A_62 : memref<2000xi32, #tpu.memory_space<hbm>>) target(%arg8 : memref<2000xi32, #tpu.memory_space<vmem>>) target_semaphore(%run_scoped3A_58 : memref<!tpu.dma_semaphore, #tpu.memory_space<semaphore_mem>>)
      %dma_wait3A_63 = tpu.memref_slice %arg3[%run_scoped3A_37, %add3A_35] : memref<2x320000xi32, #tpu.memory_space<hbm>> -> memref<1x2000xi32, #tpu.memory_space<hbm>>
      %dma_wait3A_64 = tpu.memref_squeeze %dma_wait3A_63 : memref<1x2000xi32, #tpu.memory_space<hbm>> -> memref<2000xi32, #tpu.memory_space<hbm>>
      %dma_wait3A_65 = tpu.memref_slice %arg3[%run_scoped3A_37, %add3A_35] : memref<2x320000xi32, #tpu.memory_space<hbm>> -> memref<1x2000xi32, #tpu.memory_space<hbm>>
      %dma_wait3A_66 = tpu.memref_squeeze %dma_wait3A_65 : memref<1x2000xi32, #tpu.memory_space<hbm>> -> memref<2000xi32, #tpu.memory_space<hbm>>
      tpu.wait_dma2 semaphore(%run_scoped3A_58 : memref<!tpu.dma_semaphore, #tpu.memory_space<semaphore_mem>>) src(%dma_wait3A_66 : memref<2000xi32, #tpu.memory_space<hbm>>) dst(%arg8 : memref<2000xi32, #tpu.memory_space<vmem>>)
      tpu.yield
    }) : () -> ()
    %dma_start3A_38 = arith.constant 0 : i32
    %dma_start3A_39 = arith.constant 0 : i32
    %dma_start3A_40 = tpu.memref_slice %arg2[%dma_start3A_38, %dma_start3A_39] : memref<10240x16xf32, #tpu.memory_space<hbm>> -> memref<10240x16xf32, #tpu.memory_space<hbm>>
    tpu.enqueue_indirect_dma source(%dma_start3A_40 : memref<10240x16xf32, #tpu.memory_space<hbm>>) target(%arg10 : memref<2000x16xf32, #tpu.memory_space<vmem>>) offsets(%arg7 : memref<2000xi32, #tpu.memory_space<vmem>>) semaphore(%arg14 : memref<!tpu.dma_semaphore, #tpu.memory_space<semaphore_mem>>)
    %dma_wait3A_41 = arith.constant 0 : i32
    %dma_wait3A_42 = arith.constant 0 : i32
    %dma_wait3A_43 = tpu.memref_slice %arg2[%dma_wait3A_41, %dma_wait3A_42] : memref<10240x16xf32, #tpu.memory_space<hbm>> -> memref<10240x16xf32, #tpu.memory_space<hbm>>
    tpu.wait_indirect_dma semaphore(%arg13 : memref<!tpu.dma_semaphore, #tpu.memory_space<semaphore_mem>>) src(%dma_wait3A_43 : memref<10240x16xf32, #tpu.memory_space<hbm>>) dst(%arg9 : memref<2000x16xf32, #tpu.memory_space<vmem>>)
    "tpu.region"() ({
      %run_scoped3A_58 = tpu.sem_alloc : memref<!tpu.dma_semaphore, #tpu.memory_space<semaphore_mem>>
      %dma_start3A_59 = arith.constant 0 : i32
      %dma_start3A_60 = arith.constant 0 : i32
      %dma_start3A_61 = tpu.memref_slice %arg12[%dma_start3A_59, %dma_start3A_60] : memref<10240x16xf32, #tpu.memory_space<vmem_shared>> -> memref<10240x16xf32, #tpu.memory_space<vmem_shared>>
      tpu.enqueue_indirect_dma source(%arg9 : memref<2000x16xf32, #tpu.memory_space<vmem>>) target(%dma_start3A_61 : memref<10240x16xf32, #tpu.memory_space<vmem_shared>>) offsets(%arg6 : memref<2000xi32, #tpu.memory_space<vmem>>) semaphore(%run_scoped3A_58 : memref<!tpu.dma_semaphore, #tpu.memory_space<semaphore_mem>>) {add = true}
      %dma_wait3A_62 = arith.constant 0 : i32
      %dma_wait3A_63 = arith.constant 0 : i32
      %dma_wait3A_64 = tpu.memref_slice %arg12[%dma_wait3A_62, %dma_wait3A_63] : memref<10240x16xf32, #tpu.memory_space<vmem_shared>> -> memref<10240x16xf32, #tpu.memory_space<vmem_shared>>
      tpu.wait_indirect_dma semaphore(%run_scoped3A_58 : memref<!tpu.dma_semaphore, #tpu.memory_space<semaphore_mem>>) src(%arg9 : memref<2000x16xf32, #tpu.memory_space<vmem>>) dst(%dma_wait3A_64 : memref<10240x16xf32, #tpu.memory_space<vmem_shared>>)
      tpu.yield
    }) : () -> ()
    %add3A_44 = arith.constant 8000 : i32
    %add3A_45 = arith.addi %mul3A_4, %add3A_44 : i32
    %run_scoped3A_46 = arith.constant 0 : i32
    "tpu.region"() ({
      %run_scoped3A_58 = tpu.sem_alloc : memref<!tpu.dma_semaphore, #tpu.memory_space<semaphore_mem>>
      %dma_start3A_59 = tpu.memref_slice %arg3[%run_scoped3A_46, %add3A_45] : memref<2x320000xi32, #tpu.memory_space<hbm>> -> memref<1x2000xi32, #tpu.memory_space<hbm>>
      %dma_start3A_60 = tpu.memref_squeeze %dma_start3A_59 : memref<1x2000xi32, #tpu.memory_space<hbm>> -> memref<2000xi32, #tpu.memory_space<hbm>>
      %dma_start3A_61 = tpu.memref_slice %arg3[%run_scoped3A_46, %add3A_45] : memref<2x320000xi32, #tpu.memory_space<hbm>> -> memref<1x2000xi32, #tpu.memory_space<hbm>>
      %dma_start3A_62 = tpu.memref_squeeze %dma_start3A_61 : memref<1x2000xi32, #tpu.memory_space<hbm>> -> memref<2000xi32, #tpu.memory_space<hbm>>
      tpu.enqueue_dma source(%dma_start3A_62 : memref<2000xi32, #tpu.memory_space<hbm>>) target(%arg5 : memref<2000xi32, #tpu.memory_space<vmem>>) target_semaphore(%run_scoped3A_58 : memref<!tpu.dma_semaphore, #tpu.memory_space<semaphore_mem>>)
      %dma_wait3A_63 = tpu.memref_slice %arg3[%run_scoped3A_46, %add3A_45] : memref<2x320000xi32, #tpu.memory_space<hbm>> -> memref<1x2000xi32, #tpu.memory_space<hbm>>
      %dma_wait3A_64 = tpu.memref_squeeze %dma_wait3A_63 : memref<1x2000xi32, #tpu.memory_space<hbm>> -> memref<2000xi32, #tpu.memory_space<hbm>>
      %dma_wait3A_65 = tpu.memref_slice %arg3[%run_scoped3A_46, %add3A_45] : memref<2x320000xi32, #tpu.memory_space<hbm>> -> memref<1x2000xi32, #tpu.memory_space<hbm>>
      %dma_wait3A_66 = tpu.memref_squeeze %dma_wait3A_65 : memref<1x2000xi32, #tpu.memory_space<hbm>> -> memref<2000xi32, #tpu.memory_space<hbm>>
      tpu.wait_dma2 semaphore(%run_scoped3A_58 : memref<!tpu.dma_semaphore, #tpu.memory_space<semaphore_mem>>) src(%dma_wait3A_66 : memref<2000xi32, #tpu.memory_space<hbm>>) dst(%arg5 : memref<2000xi32, #tpu.memory_space<vmem>>)
      tpu.yield
    }) : () -> ()
    %run_scoped3A_47 = arith.constant 1 : i32
    "tpu.region"() ({
      %run_scoped3A_58 = tpu.sem_alloc : memref<!tpu.dma_semaphore, #tpu.memory_space<semaphore_mem>>
      %dma_start3A_59 = tpu.memref_slice %arg3[%run_scoped3A_47, %add3A_45] : memref<2x320000xi32, #tpu.memory_space<hbm>> -> memref<1x2000xi32, #tpu.memory_space<hbm>>
      %dma_start3A_60 = tpu.memref_squeeze %dma_start3A_59 : memref<1x2000xi32, #tpu.memory_space<hbm>> -> memref<2000xi32, #tpu.memory_space<hbm>>
      %dma_start3A_61 = tpu.memref_slice %arg3[%run_scoped3A_47, %add3A_45] : memref<2x320000xi32, #tpu.memory_space<hbm>> -> memref<1x2000xi32, #tpu.memory_space<hbm>>
      %dma_start3A_62 = tpu.memref_squeeze %dma_start3A_61 : memref<1x2000xi32, #tpu.memory_space<hbm>> -> memref<2000xi32, #tpu.memory_space<hbm>>
      tpu.enqueue_dma source(%dma_start3A_62 : memref<2000xi32, #tpu.memory_space<hbm>>) target(%arg6 : memref<2000xi32, #tpu.memory_space<vmem>>) target_semaphore(%run_scoped3A_58 : memref<!tpu.dma_semaphore, #tpu.memory_space<semaphore_mem>>)
      %dma_wait3A_63 = tpu.memref_slice %arg3[%run_scoped3A_47, %add3A_45] : memref<2x320000xi32, #tpu.memory_space<hbm>> -> memref<1x2000xi32, #tpu.memory_space<hbm>>
      %dma_wait3A_64 = tpu.memref_squeeze %dma_wait3A_63 : memref<1x2000xi32, #tpu.memory_space<hbm>> -> memref<2000xi32, #tpu.memory_space<hbm>>
      %dma_wait3A_65 = tpu.memref_slice %arg3[%run_scoped3A_47, %add3A_45] : memref<2x320000xi32, #tpu.memory_space<hbm>> -> memref<1x2000xi32, #tpu.memory_space<hbm>>
      %dma_wait3A_66 = tpu.memref_squeeze %dma_wait3A_65 : memref<1x2000xi32, #tpu.memory_space<hbm>> -> memref<2000xi32, #tpu.memory_space<hbm>>
      tpu.wait_dma2 semaphore(%run_scoped3A_58 : memref<!tpu.dma_semaphore, #tpu.memory_space<semaphore_mem>>) src(%dma_wait3A_66 : memref<2000xi32, #tpu.memory_space<hbm>>) dst(%arg6 : memref<2000xi32, #tpu.memory_space<vmem>>)
      tpu.yield
    }) : () -> ()
    %dma_start3A_48 = arith.constant 0 : i32
    %dma_start3A_49 = arith.constant 0 : i32
    %dma_start3A_50 = tpu.memref_slice %arg2[%dma_start3A_48, %dma_start3A_49] : memref<10240x16xf32, #tpu.memory_space<hbm>> -> memref<10240x16xf32, #tpu.memory_space<hbm>>
    tpu.enqueue_indirect_dma source(%dma_start3A_50 : memref<10240x16xf32, #tpu.memory_space<hbm>>) target(%arg9 : memref<2000x16xf32, #tpu.memory_space<vmem>>) offsets(%arg5 : memref<2000xi32, #tpu.memory_space<vmem>>) semaphore(%arg13 : memref<!tpu.dma_semaphore, #tpu.memory_space<semaphore_mem>>)
    %dma_wait3A_51 = arith.constant 0 : i32
    %dma_wait3A_52 = arith.constant 0 : i32
    %dma_wait3A_53 = tpu.memref_slice %arg2[%dma_wait3A_51, %dma_wait3A_52] : memref<10240x16xf32, #tpu.memory_space<hbm>> -> memref<10240x16xf32, #tpu.memory_space<hbm>>
    tpu.wait_indirect_dma semaphore(%arg14 : memref<!tpu.dma_semaphore, #tpu.memory_space<semaphore_mem>>) src(%dma_wait3A_53 : memref<10240x16xf32, #tpu.memory_space<hbm>>) dst(%arg10 : memref<2000x16xf32, #tpu.memory_space<vmem>>)
    "tpu.region"() ({
      %run_scoped3A_58 = tpu.sem_alloc : memref<!tpu.dma_semaphore, #tpu.memory_space<semaphore_mem>>
      %dma_start3A_59 = arith.constant 0 : i32
      %dma_start3A_60 = arith.constant 0 : i32
      %dma_start3A_61 = tpu.memref_slice %arg12[%dma_start3A_59, %dma_start3A_60] : memref<10240x16xf32, #tpu.memory_space<vmem_shared>> -> memref<10240x16xf32, #tpu.memory_space<vmem_shared>>
      tpu.enqueue_indirect_dma source(%arg10 : memref<2000x16xf32, #tpu.memory_space<vmem>>) target(%dma_start3A_61 : memref<10240x16xf32, #tpu.memory_space<vmem_shared>>) offsets(%arg8 : memref<2000xi32, #tpu.memory_space<vmem>>) semaphore(%run_scoped3A_58 : memref<!tpu.dma_semaphore, #tpu.memory_space<semaphore_mem>>) {add = true}
      %dma_wait3A_62 = arith.constant 0 : i32
      %dma_wait3A_63 = arith.constant 0 : i32
      %dma_wait3A_64 = tpu.memref_slice %arg12[%dma_wait3A_62, %dma_wait3A_63] : memref<10240x16xf32, #tpu.memory_space<vmem_shared>> -> memref<10240x16xf32, #tpu.memory_space<vmem_shared>>
      tpu.wait_indirect_dma semaphore(%run_scoped3A_58 : memref<!tpu.dma_semaphore, #tpu.memory_space<semaphore_mem>>) src(%arg10 : memref<2000x16xf32, #tpu.memory_space<vmem>>) dst(%dma_wait3A_64 : memref<10240x16xf32, #tpu.memory_space<vmem_shared>>)
      tpu.yield
    }) : () -> ()
    %dma_wait3A_54 = arith.constant 0 : i32
    %dma_wait3A_55 = arith.constant 0 : i32
    %dma_wait3A_56 = tpu.memref_slice %arg2[%dma_wait3A_54, %dma_wait3A_55] : memref<10240x16xf32, #tpu.memory_space<hbm>> -> memref<10240x16xf32, #tpu.memory_space<hbm>>
    tpu.wait_indirect_dma semaphore(%arg13 : memref<!tpu.dma_semaphore, #tpu.memory_space<semaphore_mem>>) src(%dma_wait3A_56 : memref<10240x16xf32, #tpu.memory_space<hbm>>) dst(%arg9 : memref<2000x16xf32, #tpu.memory_space<vmem>>)
    "tpu.region"() ({
      %run_scoped3A_58 = tpu.sem_alloc : memref<!tpu.dma_semaphore, #tpu.memory_space<semaphore_mem>>
      %dma_start3A_59 = arith.constant 0 : i32
      %dma_start3A_60 = arith.constant 0 : i32
      %dma_start3A_61 = tpu.memref_slice %arg12[%dma_start3A_59, %dma_start3A_60] : memref<10240x16xf32, #tpu.memory_space<vmem_shared>> -> memref<10240x16xf32, #tpu.memory_space<vmem_shared>>
      tpu.enqueue_indirect_dma source(%arg9 : memref<2000x16xf32, #tpu.memory_space<vmem>>) target(%dma_start3A_61 : memref<10240x16xf32, #tpu.memory_space<vmem_shared>>) offsets(%arg6 : memref<2000xi32, #tpu.memory_space<vmem>>) semaphore(%run_scoped3A_58 : memref<!tpu.dma_semaphore, #tpu.memory_space<semaphore_mem>>) {add = true}
      %dma_wait3A_62 = arith.constant 0 : i32
      %dma_wait3A_63 = arith.constant 0 : i32
      %dma_wait3A_64 = tpu.memref_slice %arg12[%dma_wait3A_62, %dma_wait3A_63] : memref<10240x16xf32, #tpu.memory_space<vmem_shared>> -> memref<10240x16xf32, #tpu.memory_space<vmem_shared>>
      tpu.wait_indirect_dma semaphore(%run_scoped3A_58 : memref<!tpu.dma_semaphore, #tpu.memory_space<semaphore_mem>>) src(%arg9 : memref<2000x16xf32, #tpu.memory_space<vmem>>) dst(%dma_wait3A_64 : memref<10240x16xf32, #tpu.memory_space<vmem_shared>>)
      tpu.yield
    }) : () -> ()
    %barrier3A_57 = arith.constant 0 : index
    tpu.barrier barrier_id(%barrier3A_57)
    "tpu.region"() ({
      %run_scoped3A_58 = tpu.sem_alloc : memref<!tpu.dma_semaphore, #tpu.memory_space<semaphore_mem>>
      %dma_start3A_59 = arith.constant 0 : i32
      %dma_start3A_60 = tpu.memref_slice %arg4[%arg0, %mul3A_2, %dma_start3A_59] : memref<2x10240x16xf32, #tpu.memory_space<hbm>> -> memref<1x640x16xf32, #tpu.memory_space<hbm>>
      %dma_start3A_61 = tpu.memref_squeeze %dma_start3A_60 : memref<1x640x16xf32, #tpu.memory_space<hbm>> -> memref<640x16xf32, #tpu.memory_space<hbm>>
      %dma_start3A_62 = arith.constant 0 : i32
      %dma_start3A_63 = tpu.memref_slice %arg12[%mul3A_2, %dma_start3A_62] : memref<10240x16xf32, #tpu.memory_space<vmem_shared>> -> memref<640x16xf32, #tpu.memory_space<vmem_shared>>
      tpu.enqueue_dma source(%dma_start3A_63 : memref<640x16xf32, #tpu.memory_space<vmem_shared>>) target(%dma_start3A_61 : memref<640x16xf32, #tpu.memory_space<hbm>>) target_semaphore(%run_scoped3A_58 : memref<!tpu.dma_semaphore, #tpu.memory_space<semaphore_mem>>)
      %dma_wait3A_64 = arith.constant 0 : i32
      %dma_wait3A_65 = tpu.memref_slice %arg4[%arg0, %mul3A_2, %dma_wait3A_64] : memref<2x10240x16xf32, #tpu.memory_space<hbm>> -> memref<1x640x16xf32, #tpu.memory_space<hbm>>
      %dma_wait3A_66 = tpu.memref_squeeze %dma_wait3A_65 : memref<1x640x16xf32, #tpu.memory_space<hbm>> -> memref<640x16xf32, #tpu.memory_space<hbm>>
      %dma_wait3A_67 = arith.constant 0 : i32
      %dma_wait3A_68 = tpu.memref_slice %arg12[%mul3A_2, %dma_wait3A_67] : memref<10240x16xf32, #tpu.memory_space<vmem_shared>> -> memref<640x16xf32, #tpu.memory_space<vmem_shared>>
      tpu.wait_dma2 semaphore(%run_scoped3A_58 : memref<!tpu.dma_semaphore, #tpu.memory_space<semaphore_mem>>) src(%dma_wait3A_68 : memref<640x16xf32, #tpu.memory_space<vmem_shared>>) dst(%dma_wait3A_66 : memref<640x16xf32, #tpu.memory_space<hbm>>)
      tpu.yield
    }) : () -> ()
    return
  }
}

#map = affine_map<(d0, d1) -> (0, 0)>
module attributes {stable_mosaic.version = 14 : i64} {
  func.func @_sc_degree(%arg0: i32, %arg1: i32, %arg2: memref<2x320000xi32, #tpu.memory_space<hbm>>, %arg3: memref<2x163840xf32, #tpu.memory_space<hbm>>, %arg4: memref<10000xi32, #tpu.memory_space<vmem>>, %arg5: memref<10000xf32, #tpu.memory_space<vmem>>, %arg6: memref<640xf32, #tpu.memory_space<vmem>>, %arg7: memref<10240xi32, #tpu.memory_space<vmem>>, %arg8: memref<10240xf32, #tpu.memory_space<vmem>>, %arg9: memref<10240xf32, #tpu.memory_space<vmem_shared>>, %arg10: memref<!tpu.dma_semaphore, #tpu.memory_space<semaphore_mem>>) attributes {dimension_semantics = [#tpu.dimension_semantics<core_parallel>, #tpu.dimension_semantics<subcore_parallel>], iteration_bounds = array<i64: 2, 16>, scalar_prefetch = 0 : i64, scratch_operands = 7 : i64, tpu.core_type = #tpu.core_type<sc_vector_subcore>, window_params = [{transform_indices = #map}, {transform_indices = #map}]} {
    %mul3A = arith.constant 16 : i32
    %mul3A_0 = arith.muli %arg0, %mul3A : i32
    %add3A = arith.addi %mul3A_0, %arg1 : i32
    %mul3A_1 = arith.constant 640 : i32
    %mul3A_2 = arith.muli %arg1, %mul3A_1 : i32
    %mul3A_3 = arith.constant 10000 : i32
    %mul3A_4 = arith.muli %add3A, %mul3A_3 : i32
    %dma_start3A = arith.constant 1 : i32
    %dma_start3A_5 = tpu.memref_slice %arg2[%dma_start3A, %mul3A_4] : memref<2x320000xi32, #tpu.memory_space<hbm>> -> memref<1x10000xi32, #tpu.memory_space<hbm>>
    %dma_start3A_6 = tpu.memref_squeeze %dma_start3A_5 : memref<1x10000xi32, #tpu.memory_space<hbm>> -> memref<10000xi32, #tpu.memory_space<hbm>>
    %dma_start3A_7 = tpu.memref_slice %arg2[%dma_start3A, %mul3A_4] : memref<2x320000xi32, #tpu.memory_space<hbm>> -> memref<1x10000xi32, #tpu.memory_space<hbm>>
    %dma_start3A_8 = tpu.memref_squeeze %dma_start3A_7 : memref<1x10000xi32, #tpu.memory_space<hbm>> -> memref<10000xi32, #tpu.memory_space<hbm>>
    tpu.enqueue_dma source(%dma_start3A_8 : memref<10000xi32, #tpu.memory_space<hbm>>) target(%arg4 : memref<10000xi32, #tpu.memory_space<vmem>>) target_semaphore(%arg10 : memref<!tpu.dma_semaphore, #tpu.memory_space<semaphore_mem>>)
    %scan3A = arith.constant 0 : i32
    %scan3A_9 = arith.constant 0 : i32
    %scan3A_10 = arith.constant 5 : i32
    %scan3A_11 = arith.addi %scan3A_9, %scan3A_10 : i32
    %scan3A_12 = arith.constant 1 : i32
    scf.for %scan3A_41 = %scan3A_9 to %scan3A_11 step %scan3A_12  : i32 {
      %broadcast_in_dim3A_42 = arith.constant 0.000000e+00 : f32
      %broadcast_in_dim3A_43 = vector.broadcast %broadcast_in_dim3A_42 : f32 to vector<16xf32>
      %mul3A_44 = arith.constant 128 : i32
      %mul3A_45 = arith.muli %scan3A_41, %mul3A_44 : i32
      %add3A_46 = arith.constant 0 : i32
      %add3A_47 = arith.addi %mul3A_45, %add3A_46 : i32
      %swap3A_48 = arith.index_cast %add3A_47 : i32 to index
      %swap3A_49 = tpu.vector_load %arg6[%swap3A_48] {strides = array<i32>} : memref<640xf32, #tpu.memory_space<vmem>>, vector<16xf32>,
      %swap3A_50 = vector.shape_cast %swap3A_49 : vector<16xf32> to vector<16xf32>
      %swap3A_51 = vector.shape_cast %broadcast_in_dim3A_43 : vector<16xf32> to vector<16xf32>
      tpu.vector_store %arg6[%swap3A_48], %swap3A_51 {strides = array<i32>} : memref<640xf32, #tpu.memory_space<vmem>>, vector<16xf32>,
      %broadcast_in_dim3A_52 = arith.constant 0.000000e+00 : f32
      %broadcast_in_dim3A_53 = vector.broadcast %broadcast_in_dim3A_52 : f32 to vector<16xf32>
      %mul3A_54 = arith.constant 128 : i32
      %mul3A_55 = arith.muli %scan3A_41, %mul3A_54 : i32
      %add3A_56 = arith.constant 16 : i32
      %add3A_57 = arith.addi %mul3A_55, %add3A_56 : i32
      %swap3A_58 = arith.index_cast %add3A_57 : i32 to index
      %swap3A_59 = tpu.vector_load %arg6[%swap3A_58] {strides = array<i32>} : memref<640xf32, #tpu.memory_space<vmem>>, vector<16xf32>,
      %swap3A_60 = vector.shape_cast %swap3A_59 : vector<16xf32> to vector<16xf32>
      %swap3A_61 = vector.shape_cast %broadcast_in_dim3A_53 : vector<16xf32> to vector<16xf32>
      tpu.vector_store %arg6[%swap3A_58], %swap3A_61 {strides = array<i32>} : memref<640xf32, #tpu.memory_space<vmem>>, vector<16xf32>,
      %broadcast_in_dim3A_62 = arith.constant 0.000000e+00 : f32
      %broadcast_in_dim3A_63 = vector.broadcast %broadcast_in_dim3A_62 : f32 to vector<16xf32>
      %mul3A_64 = arith.constant 128 : i32
      %mul3A_65 = arith.muli %scan3A_41, %mul3A_64 : i32
      %add3A_66 = arith.constant 32 : i32
      %add3A_67 = arith.addi %mul3A_65, %add3A_66 : i32
      %swap3A_68 = arith.index_cast %add3A_67 : i32 to index
      %swap3A_69 = tpu.vector_load %arg6[%swap3A_68] {strides = array<i32>} : memref<640xf32, #tpu.memory_space<vmem>>, vector<16xf32>,
      %swap3A_70 = vector.shape_cast %swap3A_69 : vector<16xf32> to vector<16xf32>
      %swap3A_71 = vector.shape_cast %broadcast_in_dim3A_63 : vector<16xf32> to vector<16xf32>
      tpu.vector_store %arg6[%swap3A_68], %swap3A_71 {strides = array<i32>} : memref<640xf32, #tpu.memory_space<vmem>>, vector<16xf32>,
      %broadcast_in_dim3A_72 = arith.constant 0.000000e+00 : f32
      %broadcast_in_dim3A_73 = vector.broadcast %broadcast_in_dim3A_72 : f32 to vector<16xf32>
      %mul3A_74 = arith.constant 128 : i32
      %mul3A_75 = arith.muli %scan3A_41, %mul3A_74 : i32
      %add3A_76 = arith.constant 48 : i32
      %add3A_77 = arith.addi %mul3A_75, %add3A_76 : i32
      %swap3A_78 = arith.index_cast %add3A_77 : i32 to index
      %swap3A_79 = tpu.vector_load %arg6[%swap3A_78] {strides = array<i32>} : memref<640xf32, #tpu.memory_space<vmem>>, vector<16xf32>,
      %swap3A_80 = vector.shape_cast %swap3A_79 : vector<16xf32> to vector<16xf32>
      %swap3A_81 = vector.shape_cast %broadcast_in_dim3A_73 : vector<16xf32> to vector<16xf32>
      tpu.vector_store %arg6[%swap3A_78], %swap3A_81 {strides = array<i32>} : memref<640xf32, #tpu.memory_space<vmem>>, vector<16xf32>,
      %broadcast_in_dim3A_82 = arith.constant 0.000000e+00 : f32
      %broadcast_in_dim3A_83 = vector.broadcast %broadcast_in_dim3A_82 : f32 to vector<16xf32>
      %mul3A_84 = arith.constant 128 : i32
      %mul3A_85 = arith.muli %scan3A_41, %mul3A_84 : i32
      %add3A_86 = arith.constant 64 : i32
      %add3A_87 = arith.addi %mul3A_85, %add3A_86 : i32
      %swap3A_88 = arith.index_cast %add3A_87 : i32 to index
      %swap3A_89 = tpu.vector_load %arg6[%swap3A_88] {strides = array<i32>} : memref<640xf32, #tpu.memory_space<vmem>>, vector<16xf32>,
      %swap3A_90 = vector.shape_cast %swap3A_89 : vector<16xf32> to vector<16xf32>
      %swap3A_91 = vector.shape_cast %broadcast_in_dim3A_83 : vector<16xf32> to vector<16xf32>
      tpu.vector_store %arg6[%swap3A_88], %swap3A_91 {strides = array<i32>} : memref<640xf32, #tpu.memory_space<vmem>>, vector<16xf32>,
      %broadcast_in_dim3A_92 = arith.constant 0.000000e+00 : f32
      %broadcast_in_dim3A_93 = vector.broadcast %broadcast_in_dim3A_92 : f32 to vector<16xf32>
      %mul3A_94 = arith.constant 128 : i32
      %mul3A_95 = arith.muli %scan3A_41, %mul3A_94 : i32
      %add3A_96 = arith.constant 80 : i32
      %add3A_97 = arith.addi %mul3A_95, %add3A_96 : i32
      %swap3A_98 = arith.index_cast %add3A_97 : i32 to index
      %swap3A_99 = tpu.vector_load %arg6[%swap3A_98] {strides = array<i32>} : memref<640xf32, #tpu.memory_space<vmem>>, vector<16xf32>,
      %swap3A_100 = vector.shape_cast %swap3A_99 : vector<16xf32> to vector<16xf32>
      %swap3A_101 = vector.shape_cast %broadcast_in_dim3A_93 : vector<16xf32> to vector<16xf32>
      tpu.vector_store %arg6[%swap3A_98], %swap3A_101 {strides = array<i32>} : memref<640xf32, #tpu.memory_space<vmem>>, vector<16xf32>,
      %broadcast_in_dim3A_102 = arith.constant 0.000000e+00 : f32
      %broadcast_in_dim3A_103 = vector.broadcast %broadcast_in_dim3A_102 : f32 to vector<16xf32>
      %mul3A_104 = arith.constant 128 : i32
      %mul3A_105 = arith.muli %scan3A_41, %mul3A_104 : i32
      %add3A_106 = arith.constant 96 : i32
      %add3A_107 = arith.addi %mul3A_105, %add3A_106 : i32
      %swap3A_108 = arith.index_cast %add3A_107 : i32 to index
      %swap3A_109 = tpu.vector_load %arg6[%swap3A_108] {strides = array<i32>} : memref<640xf32, #tpu.memory_space<vmem>>, vector<16xf32>,
      %swap3A_110 = vector.shape_cast %swap3A_109 : vector<16xf32> to vector<16xf32>
      %swap3A_111 = vector.shape_cast %broadcast_in_dim3A_103 : vector<16xf32> to vector<16xf32>
      tpu.vector_store %arg6[%swap3A_108], %swap3A_111 {strides = array<i32>} : memref<640xf32, #tpu.memory_space<vmem>>, vector<16xf32>,
      %broadcast_in_dim3A_112 = arith.constant 0.000000e+00 : f32
      %broadcast_in_dim3A_113 = vector.broadcast %broadcast_in_dim3A_112 : f32 to vector<16xf32>
      %mul3A_114 = arith.constant 128 : i32
      %mul3A_115 = arith.muli %scan3A_41, %mul3A_114 : i32
      %add3A_116 = arith.constant 112 : i32
      %add3A_117 = arith.addi %mul3A_115, %add3A_116 : i32
      %swap3A_118 = arith.index_cast %add3A_117 : i32 to index
      %swap3A_119 = tpu.vector_load %arg6[%swap3A_118] {strides = array<i32>} : memref<640xf32, #tpu.memory_space<vmem>>, vector<16xf32>,
      %swap3A_120 = vector.shape_cast %swap3A_119 : vector<16xf32> to vector<16xf32>
      %swap3A_121 = vector.shape_cast %broadcast_in_dim3A_113 : vector<16xf32> to vector<16xf32>
      tpu.vector_store %arg6[%swap3A_118], %swap3A_121 {strides = array<i32>} : memref<640xf32, #tpu.memory_space<vmem>>, vector<16xf32>,
    }
    %scan3A_13 = arith.constant 5 : i32
    %scan3A_14 = arith.constant 0 : i32
    %scan3A_15 = arith.constant 0 : i32
    %scan3A_16 = arith.constant 78 : i32
    %scan3A_17 = arith.addi %scan3A_15, %scan3A_16 : i32
    %scan3A_18 = arith.constant 1 : i32
    scf.for %scan3A_41 = %scan3A_15 to %scan3A_17 step %scan3A_18  : i32 {
      %broadcast_in_dim3A_42 = arith.constant 1.000000e+00 : f32
      %broadcast_in_dim3A_43 = vector.broadcast %broadcast_in_dim3A_42 : f32 to vector<16xf32>
      %mul3A_44 = arith.constant 128 : i32
      %mul3A_45 = arith.muli %scan3A_41, %mul3A_44 : i32
      %add3A_46 = arith.constant 0 : i32
      %add3A_47 = arith.addi %mul3A_45, %add3A_46 : i32
      %swap3A_48 = arith.index_cast %add3A_47 : i32 to index
      %swap3A_49 = tpu.vector_load %arg5[%swap3A_48] {strides = array<i32>} : memref<10000xf32, #tpu.memory_space<vmem>>, vector<16xf32>,
      %swap3A_50 = vector.shape_cast %swap3A_49 : vector<16xf32> to vector<16xf32>
      %swap3A_51 = vector.shape_cast %broadcast_in_dim3A_43 : vector<16xf32> to vector<16xf32>
      tpu.vector_store %arg5[%swap3A_48], %swap3A_51 {strides = array<i32>} : memref<10000xf32, #tpu.memory_space<vmem>>, vector<16xf32>,
      %broadcast_in_dim3A_52 = arith.constant 1.000000e+00 : f32
      %broadcast_in_dim3A_53 = vector.broadcast %broadcast_in_dim3A_52 : f32 to vector<16xf32>
      %mul3A_54 = arith.constant 128 : i32
      %mul3A_55 = arith.muli %scan3A_41, %mul3A_54 : i32
      %add3A_56 = arith.constant 16 : i32
      %add3A_57 = arith.addi %mul3A_55, %add3A_56 : i32
      %swap3A_58 = arith.index_cast %add3A_57 : i32 to index
      %swap3A_59 = tpu.vector_load %arg5[%swap3A_58] {strides = array<i32>} : memref<10000xf32, #tpu.memory_space<vmem>>, vector<16xf32>,
      %swap3A_60 = vector.shape_cast %swap3A_59 : vector<16xf32> to vector<16xf32>
      %swap3A_61 = vector.shape_cast %broadcast_in_dim3A_53 : vector<16xf32> to vector<16xf32>
      tpu.vector_store %arg5[%swap3A_58], %swap3A_61 {strides = array<i32>} : memref<10000xf32, #tpu.memory_space<vmem>>, vector<16xf32>,
      %broadcast_in_dim3A_62 = arith.constant 1.000000e+00 : f32
      %broadcast_in_dim3A_63 = vector.broadcast %broadcast_in_dim3A_62 : f32 to vector<16xf32>
      %mul3A_64 = arith.constant 128 : i32
      %mul3A_65 = arith.muli %scan3A_41, %mul3A_64 : i32
      %add3A_66 = arith.constant 32 : i32
      %add3A_67 = arith.addi %mul3A_65, %add3A_66 : i32
      %swap3A_68 = arith.index_cast %add3A_67 : i32 to index
      %swap3A_69 = tpu.vector_load %arg5[%swap3A_68] {strides = array<i32>} : memref<10000xf32, #tpu.memory_space<vmem>>, vector<16xf32>,
      %swap3A_70 = vector.shape_cast %swap3A_69 : vector<16xf32> to vector<16xf32>
      %swap3A_71 = vector.shape_cast %broadcast_in_dim3A_63 : vector<16xf32> to vector<16xf32>
      tpu.vector_store %arg5[%swap3A_68], %swap3A_71 {strides = array<i32>} : memref<10000xf32, #tpu.memory_space<vmem>>, vector<16xf32>,
      %broadcast_in_dim3A_72 = arith.constant 1.000000e+00 : f32
      %broadcast_in_dim3A_73 = vector.broadcast %broadcast_in_dim3A_72 : f32 to vector<16xf32>
      %mul3A_74 = arith.constant 128 : i32
      %mul3A_75 = arith.muli %scan3A_41, %mul3A_74 : i32
      %add3A_76 = arith.constant 48 : i32
      %add3A_77 = arith.addi %mul3A_75, %add3A_76 : i32
      %swap3A_78 = arith.index_cast %add3A_77 : i32 to index
      %swap3A_79 = tpu.vector_load %arg5[%swap3A_78] {strides = array<i32>} : memref<10000xf32, #tpu.memory_space<vmem>>, vector<16xf32>,
      %swap3A_80 = vector.shape_cast %swap3A_79 : vector<16xf32> to vector<16xf32>
      %swap3A_81 = vector.shape_cast %broadcast_in_dim3A_73 : vector<16xf32> to vector<16xf32>
      tpu.vector_store %arg5[%swap3A_78], %swap3A_81 {strides = array<i32>} : memref<10000xf32, #tpu.memory_space<vmem>>, vector<16xf32>,
      %broadcast_in_dim3A_82 = arith.constant 1.000000e+00 : f32
      %broadcast_in_dim3A_83 = vector.broadcast %broadcast_in_dim3A_82 : f32 to vector<16xf32>
      %mul3A_84 = arith.constant 128 : i32
      %mul3A_85 = arith.muli %scan3A_41, %mul3A_84 : i32
      %add3A_86 = arith.constant 64 : i32
      %add3A_87 = arith.addi %mul3A_85, %add3A_86 : i32
      %swap3A_88 = arith.index_cast %add3A_87 : i32 to index
      %swap3A_89 = tpu.vector_load %arg5[%swap3A_88] {strides = array<i32>} : memref<10000xf32, #tpu.memory_space<vmem>>, vector<16xf32>,
      %swap3A_90 = vector.shape_cast %swap3A_89 : vector<16xf32> to vector<16xf32>
      %swap3A_91 = vector.shape_cast %broadcast_in_dim3A_83 : vector<16xf32> to vector<16xf32>
      tpu.vector_store %arg5[%swap3A_88], %swap3A_91 {strides = array<i32>} : memref<10000xf32, #tpu.memory_space<vmem>>, vector<16xf32>,
      %broadcast_in_dim3A_92 = arith.constant 1.000000e+00 : f32
      %broadcast_in_dim3A_93 = vector.broadcast %broadcast_in_dim3A_92 : f32 to vector<16xf32>
      %mul3A_94 = arith.constant 128 : i32
      %mul3A_95 = arith.muli %scan3A_41, %mul3A_94 : i32
      %add3A_96 = arith.constant 80 : i32
      %add3A_97 = arith.addi %mul3A_95, %add3A_96 : i32
      %swap3A_98 = arith.index_cast %add3A_97 : i32 to index
      %swap3A_99 = tpu.vector_load %arg5[%swap3A_98] {strides = array<i32>} : memref<10000xf32, #tpu.memory_space<vmem>>, vector<16xf32>,
      %swap3A_100 = vector.shape_cast %swap3A_99 : vector<16xf32> to vector<16xf32>
      %swap3A_101 = vector.shape_cast %broadcast_in_dim3A_93 : vector<16xf32> to vector<16xf32>
      tpu.vector_store %arg5[%swap3A_98], %swap3A_101 {strides = array<i32>} : memref<10000xf32, #tpu.memory_space<vmem>>, vector<16xf32>,
      %broadcast_in_dim3A_102 = arith.constant 1.000000e+00 : f32
      %broadcast_in_dim3A_103 = vector.broadcast %broadcast_in_dim3A_102 : f32 to vector<16xf32>
      %mul3A_104 = arith.constant 128 : i32
      %mul3A_105 = arith.muli %scan3A_41, %mul3A_104 : i32
      %add3A_106 = arith.constant 96 : i32
      %add3A_107 = arith.addi %mul3A_105, %add3A_106 : i32
      %swap3A_108 = arith.index_cast %add3A_107 : i32 to index
      %swap3A_109 = tpu.vector_load %arg5[%swap3A_108] {strides = array<i32>} : memref<10000xf32, #tpu.memory_space<vmem>>, vector<16xf32>,
      %swap3A_110 = vector.shape_cast %swap3A_109 : vector<16xf32> to vector<16xf32>
      %swap3A_111 = vector.shape_cast %broadcast_in_dim3A_103 : vector<16xf32> to vector<16xf32>
      tpu.vector_store %arg5[%swap3A_108], %swap3A_111 {strides = array<i32>} : memref<10000xf32, #tpu.memory_space<vmem>>, vector<16xf32>,
      %broadcast_in_dim3A_112 = arith.constant 1.000000e+00 : f32
      %broadcast_in_dim3A_113 = vector.broadcast %broadcast_in_dim3A_112 : f32 to vector<16xf32>
      %mul3A_114 = arith.constant 128 : i32
      %mul3A_115 = arith.muli %scan3A_41, %mul3A_114 : i32
      %add3A_116 = arith.constant 112 : i32
      %add3A_117 = arith.addi %mul3A_115, %add3A_116 : i32
      %swap3A_118 = arith.index_cast %add3A_117 : i32 to index
      %swap3A_119 = tpu.vector_load %arg5[%swap3A_118] {strides = array<i32>} : memref<10000xf32, #tpu.memory_space<vmem>>, vector<16xf32>,
      %swap3A_120 = vector.shape_cast %swap3A_119 : vector<16xf32> to vector<16xf32>
      %swap3A_121 = vector.shape_cast %broadcast_in_dim3A_113 : vector<16xf32> to vector<16xf32>
      tpu.vector_store %arg5[%swap3A_118], %swap3A_121 {strides = array<i32>} : memref<10000xf32, #tpu.memory_space<vmem>>, vector<16xf32>,
    }
    %scan3A_19 = arith.constant 78 : i32
    %broadcast_in_dim3A = arith.constant 1.000000e+00 : f32
    %broadcast_in_dim3A_20 = vector.broadcast %broadcast_in_dim3A : f32 to vector<16xf32>
    %swap3A = arith.constant 9984 : index
    %swap3A_21 = tpu.vector_load %arg5[%swap3A] {strides = array<i32>} : memref<10000xf32, #tpu.memory_space<vmem>>, vector<16xf32>,
    %swap3A_22 = vector.shape_cast %swap3A_21 : vector<16xf32> to vector<16xf32>
    %swap3A_23 = vector.shape_cast %broadcast_in_dim3A_20 : vector<16xf32> to vector<16xf32>
    tpu.vector_store %arg5[%swap3A], %swap3A_23 {strides = array<i32>} : memref<10000xf32, #tpu.memory_space<vmem>>, vector<16xf32>,
    %scan3A_24 = arith.constant 0 : i32
    %scan3A_25 = arith.constant 0 : i32
    %scan3A_26 = arith.constant 80 : i32
    %scan3A_27 = arith.addi %scan3A_25, %scan3A_26 : i32
    %scan3A_28 = arith.constant 1 : i32
    scf.for %scan3A_41 = %scan3A_25 to %scan3A_27 step %scan3A_28  : i32 {
      %mul3A_42 = arith.constant 8 : i32
      %mul3A_43 = arith.muli %scan3A_41, %mul3A_42 : i32
      %add3A_44 = arith.addi %mul3A_2, %mul3A_43 : i32
      %add3A_45 = arith.constant 0 : i32
      %add3A_46 = arith.addi %add3A_44, %add3A_45 : i32
      %broadcast_in_dim3A_47 = vector.broadcast %add3A_46 : i32 to vector<16xi32>
      %mul3A_48 = arith.constant 8 : i32
      %mul3A_49 = arith.muli %scan3A_41, %mul3A_48 : i32
      %add3A_50 = arith.constant 0 : i32
      %add3A_51 = arith.addi %mul3A_49, %add3A_50 : i32
      %mul3A_52 = arith.constant 16 : i32
      %mul3A_53 = arith.muli %add3A_51, %mul3A_52 : i32
      %swap3A_54 = arith.index_cast %mul3A_53 : i32 to index
      %swap3A_55 = tpu.vector_load %arg7[%swap3A_54] {strides = array<i32>} : memref<10240xi32, #tpu.memory_space<vmem>>, vector<16xi32>,
      %swap3A_56 = vector.shape_cast %swap3A_55 : vector<16xi32> to vector<16xi32>
      %swap3A_57 = vector.shape_cast %broadcast_in_dim3A_47 : vector<16xi32> to vector<16xi32>
      tpu.vector_store %arg7[%swap3A_54], %swap3A_57 {strides = array<i32>} : memref<10240xi32, #tpu.memory_space<vmem>>, vector<16xi32>,
      %mul3A_58 = arith.constant 8 : i32
      %mul3A_59 = arith.muli %scan3A_41, %mul3A_58 : i32
      %add3A_60 = arith.addi %mul3A_2, %mul3A_59 : i32
      %add3A_61 = arith.constant 1 : i32
      %add3A_62 = arith.addi %add3A_60, %add3A_61 : i32
      %broadcast_in_dim3A_63 = vector.broadcast %add3A_62 : i32 to vector<16xi32>
      %mul3A_64 = arith.constant 8 : i32
      %mul3A_65 = arith.muli %scan3A_41, %mul3A_64 : i32
      %add3A_66 = arith.constant 1 : i32
      %add3A_67 = arith.addi %mul3A_65, %add3A_66 : i32
      %mul3A_68 = arith.constant 16 : i32
      %mul3A_69 = arith.muli %add3A_67, %mul3A_68 : i32
      %swap3A_70 = arith.index_cast %mul3A_69 : i32 to index
      %swap3A_71 = tpu.vector_load %arg7[%swap3A_70] {strides = array<i32>} : memref<10240xi32, #tpu.memory_space<vmem>>, vector<16xi32>,
      %swap3A_72 = vector.shape_cast %swap3A_71 : vector<16xi32> to vector<16xi32>
      %swap3A_73 = vector.shape_cast %broadcast_in_dim3A_63 : vector<16xi32> to vector<16xi32>
      tpu.vector_store %arg7[%swap3A_70], %swap3A_73 {strides = array<i32>} : memref<10240xi32, #tpu.memory_space<vmem>>, vector<16xi32>,
      %mul3A_74 = arith.constant 8 : i32
      %mul3A_75 = arith.muli %scan3A_41, %mul3A_74 : i32
      %add3A_76 = arith.addi %mul3A_2, %mul3A_75 : i32
      %add3A_77 = arith.constant 2 : i32
      %add3A_78 = arith.addi %add3A_76, %add3A_77 : i32
      %broadcast_in_dim3A_79 = vector.broadcast %add3A_78 : i32 to vector<16xi32>
      %mul3A_80 = arith.constant 8 : i32
      %mul3A_81 = arith.muli %scan3A_41, %mul3A_80 : i32
      %add3A_82 = arith.constant 2 : i32
      %add3A_83 = arith.addi %mul3A_81, %add3A_82 : i32
      %mul3A_84 = arith.constant 16 : i32
      %mul3A_85 = arith.muli %add3A_83, %mul3A_84 : i32
      %swap3A_86 = arith.index_cast %mul3A_85 : i32 to index
      %swap3A_87 = tpu.vector_load %arg7[%swap3A_86] {strides = array<i32>} : memref<10240xi32, #tpu.memory_space<vmem>>, vector<16xi32>,
      %swap3A_88 = vector.shape_cast %swap3A_87 : vector<16xi32> to vector<16xi32>
      %swap3A_89 = vector.shape_cast %broadcast_in_dim3A_79 : vector<16xi32> to vector<16xi32>
      tpu.vector_store %arg7[%swap3A_86], %swap3A_89 {strides = array<i32>} : memref<10240xi32, #tpu.memory_space<vmem>>, vector<16xi32>,
      %mul3A_90 = arith.constant 8 : i32
      %mul3A_91 = arith.muli %scan3A_41, %mul3A_90 : i32
      %add3A_92 = arith.addi %mul3A_2, %mul3A_91 : i32
      %add3A_93 = arith.constant 3 : i32
      %add3A_94 = arith.addi %add3A_92, %add3A_93 : i32
      %broadcast_in_dim3A_95 = vector.broadcast %add3A_94 : i32 to vector<16xi32>
      %mul3A_96 = arith.constant 8 : i32
      %mul3A_97 = arith.muli %scan3A_41, %mul3A_96 : i32
      %add3A_98 = arith.constant 3 : i32
      %add3A_99 = arith.addi %mul3A_97, %add3A_98 : i32
      %mul3A_100 = arith.constant 16 : i32
      %mul3A_101 = arith.muli %add3A_99, %mul3A_100 : i32
      %swap3A_102 = arith.index_cast %mul3A_101 : i32 to index
      %swap3A_103 = tpu.vector_load %arg7[%swap3A_102] {strides = array<i32>} : memref<10240xi32, #tpu.memory_space<vmem>>, vector<16xi32>,
      %swap3A_104 = vector.shape_cast %swap3A_103 : vector<16xi32> to vector<16xi32>
      %swap3A_105 = vector.shape_cast %broadcast_in_dim3A_95 : vector<16xi32> to vector<16xi32>
      tpu.vector_store %arg7[%swap3A_102], %swap3A_105 {strides = array<i32>} : memref<10240xi32, #tpu.memory_space<vmem>>, vector<16xi32>,
      %mul3A_106 = arith.constant 8 : i32
      %mul3A_107 = arith.muli %scan3A_41, %mul3A_106 : i32
      %add3A_108 = arith.addi %mul3A_2, %mul3A_107 : i32
      %add3A_109 = arith.constant 4 : i32
      %add3A_110 = arith.addi %add3A_108, %add3A_109 : i32
      %broadcast_in_dim3A_111 = vector.broadcast %add3A_110 : i32 to vector<16xi32>
      %mul3A_112 = arith.constant 8 : i32
      %mul3A_113 = arith.muli %scan3A_41, %mul3A_112 : i32
      %add3A_114 = arith.constant 4 : i32
      %add3A_115 = arith.addi %mul3A_113, %add3A_114 : i32
      %mul3A_116 = arith.constant 16 : i32
      %mul3A_117 = arith.muli %add3A_115, %mul3A_116 : i32
      %swap3A_118 = arith.index_cast %mul3A_117 : i32 to index
      %swap3A_119 = tpu.vector_load %arg7[%swap3A_118] {strides = array<i32>} : memref<10240xi32, #tpu.memory_space<vmem>>, vector<16xi32>,
      %swap3A_120 = vector.shape_cast %swap3A_119 : vector<16xi32> to vector<16xi32>
      %swap3A_121 = vector.shape_cast %broadcast_in_dim3A_111 : vector<16xi32> to vector<16xi32>
      tpu.vector_store %arg7[%swap3A_118], %swap3A_121 {strides = array<i32>} : memref<10240xi32, #tpu.memory_space<vmem>>, vector<16xi32>,
      %mul3A_122 = arith.constant 8 : i32
      %mul3A_123 = arith.muli %scan3A_41, %mul3A_122 : i32
      %add3A_124 = arith.addi %mul3A_2, %mul3A_123 : i32
      %add3A_125 = arith.constant 5 : i32
      %add3A_126 = arith.addi %add3A_124, %add3A_125 : i32
      %broadcast_in_dim3A_127 = vector.broadcast %add3A_126 : i32 to vector<16xi32>
      %mul3A_128 = arith.constant 8 : i32
      %mul3A_129 = arith.muli %scan3A_41, %mul3A_128 : i32
      %add3A_130 = arith.constant 5 : i32
      %add3A_131 = arith.addi %mul3A_129, %add3A_130 : i32
      %mul3A_132 = arith.constant 16 : i32
      %mul3A_133 = arith.muli %add3A_131, %mul3A_132 : i32
      %swap3A_134 = arith.index_cast %mul3A_133 : i32 to index
      %swap3A_135 = tpu.vector_load %arg7[%swap3A_134] {strides = array<i32>} : memref<10240xi32, #tpu.memory_space<vmem>>, vector<16xi32>,
      %swap3A_136 = vector.shape_cast %swap3A_135 : vector<16xi32> to vector<16xi32>
      %swap3A_137 = vector.shape_cast %broadcast_in_dim3A_127 : vector<16xi32> to vector<16xi32>
      tpu.vector_store %arg7[%swap3A_134], %swap3A_137 {strides = array<i32>} : memref<10240xi32, #tpu.memory_space<vmem>>, vector<16xi32>,
      %mul3A_138 = arith.constant 8 : i32
      %mul3A_139 = arith.muli %scan3A_41, %mul3A_138 : i32
      %add3A_140 = arith.addi %mul3A_2, %mul3A_139 : i32
      %add3A_141 = arith.constant 6 : i32
      %add3A_142 = arith.addi %add3A_140, %add3A_141 : i32
      %broadcast_in_dim3A_143 = vector.broadcast %add3A_142 : i32 to vector<16xi32>
      %mul3A_144 = arith.constant 8 : i32
      %mul3A_145 = arith.muli %scan3A_41, %mul3A_144 : i32
      %add3A_146 = arith.constant 6 : i32
      %add3A_147 = arith.addi %mul3A_145, %add3A_146 : i32
      %mul3A_148 = arith.constant 16 : i32
      %mul3A_149 = arith.muli %add3A_147, %mul3A_148 : i32
      %swap3A_150 = arith.index_cast %mul3A_149 : i32 to index
      %swap3A_151 = tpu.vector_load %arg7[%swap3A_150] {strides = array<i32>} : memref<10240xi32, #tpu.memory_space<vmem>>, vector<16xi32>,
      %swap3A_152 = vector.shape_cast %swap3A_151 : vector<16xi32> to vector<16xi32>
      %swap3A_153 = vector.shape_cast %broadcast_in_dim3A_143 : vector<16xi32> to vector<16xi32>
      tpu.vector_store %arg7[%swap3A_150], %swap3A_153 {strides = array<i32>} : memref<10240xi32, #tpu.memory_space<vmem>>, vector<16xi32>,
      %mul3A_154 = arith.constant 8 : i32
      %mul3A_155 = arith.muli %scan3A_41, %mul3A_154 : i32
      %add3A_156 = arith.addi %mul3A_2, %mul3A_155 : i32
      %add3A_157 = arith.constant 7 : i32
      %add3A_158 = arith.addi %add3A_156, %add3A_157 : i32
      %broadcast_in_dim3A_159 = vector.broadcast %add3A_158 : i32 to vector<16xi32>
      %mul3A_160 = arith.constant 8 : i32
      %mul3A_161 = arith.muli %scan3A_41, %mul3A_160 : i32
      %add3A_162 = arith.constant 7 : i32
      %add3A_163 = arith.addi %mul3A_161, %add3A_162 : i32
      %mul3A_164 = arith.constant 16 : i32
      %mul3A_165 = arith.muli %add3A_163, %mul3A_164 : i32
      %swap3A_166 = arith.index_cast %mul3A_165 : i32 to index
      %swap3A_167 = tpu.vector_load %arg7[%swap3A_166] {strides = array<i32>} : memref<10240xi32, #tpu.memory_space<vmem>>, vector<16xi32>,
      %swap3A_168 = vector.shape_cast %swap3A_167 : vector<16xi32> to vector<16xi32>
      %swap3A_169 = vector.shape_cast %broadcast_in_dim3A_159 : vector<16xi32> to vector<16xi32>
      tpu.vector_store %arg7[%swap3A_166], %swap3A_169 {strides = array<i32>} : memref<10240xi32, #tpu.memory_space<vmem>>, vector<16xi32>,
    }
    %scan3A_29 = arith.constant 80 : i32
    "tpu.region"() ({
      %run_scoped3A = tpu.sem_alloc : memref<!tpu.dma_semaphore, #tpu.memory_space<semaphore_mem>>
      %dma_start3A_41 = tpu.memref_slice %arg9[%mul3A_2] : memref<10240xf32, #tpu.memory_space<vmem_shared>> -> memref<640xf32, #tpu.memory_space<vmem_shared>>
      %dma_start3A_42 = tpu.memref_slice %arg9[%mul3A_2] : memref<10240xf32, #tpu.memory_space<vmem_shared>> -> memref<640xf32, #tpu.memory_space<vmem_shared>>
      tpu.enqueue_dma source(%arg6 : memref<640xf32, #tpu.memory_space<vmem>>) target(%dma_start3A_42 : memref<640xf32, #tpu.memory_space<vmem_shared>>) target_semaphore(%run_scoped3A : memref<!tpu.dma_semaphore, #tpu.memory_space<semaphore_mem>>)
      %dma_wait3A_43 = tpu.memref_slice %arg9[%mul3A_2] : memref<10240xf32, #tpu.memory_space<vmem_shared>> -> memref<640xf32, #tpu.memory_space<vmem_shared>>
      %dma_wait3A_44 = tpu.memref_slice %arg9[%mul3A_2] : memref<10240xf32, #tpu.memory_space<vmem_shared>> -> memref<640xf32, #tpu.memory_space<vmem_shared>>
      tpu.wait_dma2 semaphore(%run_scoped3A : memref<!tpu.dma_semaphore, #tpu.memory_space<semaphore_mem>>) src(%arg6 : memref<640xf32, #tpu.memory_space<vmem>>) dst(%dma_wait3A_44 : memref<640xf32, #tpu.memory_space<vmem_shared>>)
      tpu.yield
    }) : () -> ()
    %dma_wait3A = arith.constant 1 : i32
    %dma_wait3A_30 = tpu.memref_slice %arg2[%dma_wait3A, %mul3A_4] : memref<2x320000xi32, #tpu.memory_space<hbm>> -> memref<1x10000xi32, #tpu.memory_space<hbm>>
    %dma_wait3A_31 = tpu.memref_squeeze %dma_wait3A_30 : memref<1x10000xi32, #tpu.memory_space<hbm>> -> memref<10000xi32, #tpu.memory_space<hbm>>
    %dma_wait3A_32 = tpu.memref_slice %arg2[%dma_wait3A, %mul3A_4] : memref<2x320000xi32, #tpu.memory_space<hbm>> -> memref<1x10000xi32, #tpu.memory_space<hbm>>
    %dma_wait3A_33 = tpu.memref_squeeze %dma_wait3A_32 : memref<1x10000xi32, #tpu.memory_space<hbm>> -> memref<10000xi32, #tpu.memory_space<hbm>>
    tpu.wait_dma2 semaphore(%arg10 : memref<!tpu.dma_semaphore, #tpu.memory_space<semaphore_mem>>) src(%dma_wait3A_33 : memref<10000xi32, #tpu.memory_space<hbm>>) dst(%arg4 : memref<10000xi32, #tpu.memory_space<vmem>>)
    %barrier3A = arith.constant 0 : index
    tpu.barrier barrier_id(%barrier3A)
    "tpu.region"() ({
      %run_scoped3A = tpu.sem_alloc : memref<!tpu.dma_semaphore, #tpu.memory_space<semaphore_mem>>
      %dma_start3A_41 = arith.constant 0 : i32
      %dma_start3A_42 = tpu.memref_slice %arg9[%dma_start3A_41] : memref<10240xf32, #tpu.memory_space<vmem_shared>> -> memref<10240xf32, #tpu.memory_space<vmem_shared>>
      tpu.enqueue_indirect_dma source(%arg5 : memref<10000xf32, #tpu.memory_space<vmem>>) target(%dma_start3A_42 : memref<10240xf32, #tpu.memory_space<vmem_shared>>) offsets(%arg4 : memref<10000xi32, #tpu.memory_space<vmem>>) semaphore(%run_scoped3A : memref<!tpu.dma_semaphore, #tpu.memory_space<semaphore_mem>>) {add = true}
      %dma_wait3A_43 = arith.constant 0 : i32
      %dma_wait3A_44 = tpu.memref_slice %arg9[%dma_wait3A_43] : memref<10240xf32, #tpu.memory_space<vmem_shared>> -> memref<10240xf32, #tpu.memory_space<vmem_shared>>
      tpu.wait_indirect_dma semaphore(%run_scoped3A : memref<!tpu.dma_semaphore, #tpu.memory_space<semaphore_mem>>) src(%arg5 : memref<10000xf32, #tpu.memory_space<vmem>>) dst(%dma_wait3A_44 : memref<10240xf32, #tpu.memory_space<vmem_shared>>)
      tpu.yield
    }) : () -> ()
    %barrier3A_34 = arith.constant 0 : index
    tpu.barrier barrier_id(%barrier3A_34)
    %dma_start3A_35 = arith.constant 0 : i32
    %dma_start3A_36 = tpu.memref_slice %arg9[%dma_start3A_35] : memref<10240xf32, #tpu.memory_space<vmem_shared>> -> memref<10240xf32, #tpu.memory_space<vmem_shared>>
    tpu.enqueue_indirect_dma source(%dma_start3A_36 : memref<10240xf32, #tpu.memory_space<vmem_shared>>) target(%arg8 : memref<10240xf32, #tpu.memory_space<vmem>>) offsets(%arg7 : memref<10240xi32, #tpu.memory_space<vmem>>) semaphore(%arg10 : memref<!tpu.dma_semaphore, #tpu.memory_space<semaphore_mem>>)
    %dma_wait3A_37 = arith.constant 0 : i32
    %dma_wait3A_38 = tpu.memref_slice %arg9[%dma_wait3A_37] : memref<10240xf32, #tpu.memory_space<vmem_shared>> -> memref<10240xf32, #tpu.memory_space<vmem_shared>>
    tpu.wait_indirect_dma semaphore(%arg10 : memref<!tpu.dma_semaphore, #tpu.memory_space<semaphore_mem>>) src(%dma_wait3A_38 : memref<10240xf32, #tpu.memory_space<vmem_shared>>) dst(%arg8 : memref<10240xf32, #tpu.memory_space<vmem>>)
    %mul3A_39 = arith.constant 16 : i32
    %mul3A_40 = arith.muli %mul3A_2, %mul3A_39 : i32
    "tpu.region"() ({
      %run_scoped3A = tpu.sem_alloc : memref<!tpu.dma_semaphore, #tpu.memory_space<semaphore_mem>>
      %dma_start3A_41 = tpu.memref_slice %arg3[%arg0, %mul3A_40] : memref<2x163840xf32, #tpu.memory_space<hbm>> -> memref<1x10240xf32, #tpu.memory_space<hbm>>
      %dma_start3A_42 = tpu.memref_squeeze %dma_start3A_41 : memref<1x10240xf32, #tpu.memory_space<hbm>> -> memref<10240xf32, #tpu.memory_space<hbm>>
      %dma_start3A_43 = tpu.memref_slice %arg3[%arg0, %mul3A_40] : memref<2x163840xf32, #tpu.memory_space<hbm>> -> memref<1x10240xf32, #tpu.memory_space<hbm>>
      %dma_start3A_44 = tpu.memref_squeeze %dma_start3A_43 : memref<1x10240xf32, #tpu.memory_space<hbm>> -> memref<10240xf32, #tpu.memory_space<hbm>>
      tpu.enqueue_dma source(%arg8 : memref<10240xf32, #tpu.memory_space<vmem>>) target(%dma_start3A_44 : memref<10240xf32, #tpu.memory_space<hbm>>) target_semaphore(%run_scoped3A : memref<!tpu.dma_semaphore, #tpu.memory_space<semaphore_mem>>)
      %dma_wait3A_45 = tpu.memref_slice %arg3[%arg0, %mul3A_40] : memref<2x163840xf32, #tpu.memory_space<hbm>> -> memref<1x10240xf32, #tpu.memory_space<hbm>>
      %dma_wait3A_46 = tpu.memref_squeeze %dma_wait3A_45 : memref<1x10240xf32, #tpu.memory_space<hbm>> -> memref<10240xf32, #tpu.memory_space<hbm>>
      %dma_wait3A_47 = tpu.memref_slice %arg3[%arg0, %mul3A_40] : memref<2x163840xf32, #tpu.memory_space<hbm>> -> memref<1x10240xf32, #tpu.memory_space<hbm>>
      %dma_wait3A_48 = tpu.memref_squeeze %dma_wait3A_47 : memref<1x10240xf32, #tpu.memory_space<hbm>> -> memref<10240xf32, #tpu.memory_space<hbm>>
      tpu.wait_dma2 semaphore(%run_scoped3A : memref<!tpu.dma_semaphore, #tpu.memory_space<semaphore_mem>>) src(%arg8 : memref<10240xf32, #tpu.memory_space<vmem>>) dst(%dma_wait3A_48 : memref<10240xf32, #tpu.memory_space<hbm>>)
      tpu.yield
    }) : () -> ()
    return
  }
}

module attributes {stable_mosaic.version = 14 : i64} {
  func.func @_tc1_body(%arg0: memref<2x1280x128xf32, #tpu.memory_space<vmem>>, %arg1: memref<1250x1024xf32, #tpu.memory_space<vmem>>, %arg2: memref<1024x128xf32, #tpu.memory_space<vmem>>, %arg3: memref<1280x128xf32, #tpu.memory_space<vmem>>, %arg4: memref<1280x128xf32, #tpu.memory_space<vmem>>) attributes {dimension_semantics = [], scalar_prefetch = 0 : i64, scratch_operands = 0 : i64, tpu.core_type = #tpu.core_type<tc>} {
    %get3A = arith.constant 0 : index
    %get3A_0 = arith.constant 0 : index
    %get3A_1 = arith.constant 0 : index
    %get3A_2 = vector.load %arg0[%get3A, %get3A_0, %get3A_1] : memref<2x1280x128xf32, #tpu.memory_space<vmem>>, vector<1x1280x128xf32>
    %get3A_3 = vector.shape_cast %get3A_2 : vector<1x1280x128xf32> to vector<1280x128xf32>
    %get3A_4 = arith.constant 1 : index
    %get3A_5 = arith.constant 0 : index
    %get3A_6 = arith.constant 0 : index
    %get3A_7 = vector.load %arg0[%get3A_4, %get3A_5, %get3A_6] : memref<2x1280x128xf32, #tpu.memory_space<vmem>>, vector<1x1280x128xf32>
    %get3A_8 = vector.shape_cast %get3A_7 : vector<1x1280x128xf32> to vector<1280x128xf32>
    %add3A = arith.addf %get3A_3, %get3A_8 : vector<1280x128xf32>
    %add3A_9 = arith.constant 1.000000e+00 : f32
    %add3A_10 = vector.broadcast %add3A_9 : f32 to vector<1280x128xf32>
    %add3A_11 = arith.addf %add3A, %add3A_10 : vector<1280x128xf32>
    %rsqrt3A = math.rsqrt %add3A_11 : vector<1280x128xf32>
    %get3A_12 = arith.constant 0 : index
    %get3A_13 = arith.constant 0 : index
    %get3A_14 = vector.load %arg1[%get3A_12, %get3A_13] : memref<1250x1024xf32, #tpu.memory_space<vmem>>, vector<1250x1024xf32>
    %get3A_15 = arith.constant 0 : index
    %get3A_16 = arith.constant 0 : index
    %get3A_17 = vector.load %arg2[%get3A_15, %get3A_16] : memref<1024x128xf32, #tpu.memory_space<vmem>>, vector<1024x128xf32>
    %dot_general3A = arith.constant dense<0.000000e+00> : vector<1250x128xf32>
    %dot_general3A_18 = tpu.matmul %get3A_14, %get3A_17, %dot_general3A {dimension_numbers = #tpu.dot_dimension_numbers<[1], [0], [0], [1], [0, 0, 1, 1], [], []>, transpose_lhs_hint = false} : vector<1250x1024xf32>, vector<1024x128xf32>, vector<1250x128xf32> -> vector<1250x128xf32>
    %slice3A = vector.extract_strided_slice %rsqrt3A {offsets = [0, 0], sizes = [1250, 128], strides = [1, 1]} : vector<1280x128xf32> to vector<1250x128xf32>
    %mul3A = arith.mulf %dot_general3A_18, %slice3A : vector<1250x128xf32>
    %swap3A = arith.constant 0 : index
    %swap3A_19 = arith.constant 0 : index
    %swap3A_20 = vector.load %arg3[%swap3A, %swap3A_19] : memref<1280x128xf32, #tpu.memory_space<vmem>>, vector<1250x128xf32>
    tpu.vector_store %arg3[%swap3A, %swap3A_19], %mul3A {strides = array<i32>} : memref<1280x128xf32, #tpu.memory_space<vmem>>, vector<1250x128xf32>,
    %broadcast_in_dim3A = arith.constant 0.000000e+00 : f32
    %broadcast_in_dim3A_21 = vector.broadcast %broadcast_in_dim3A : f32 to vector<30x128xf32>
    %swap3A_22 = arith.constant 1250 : index
    %swap3A_23 = arith.constant 0 : index
    %swap3A_24 = vector.load %arg3[%swap3A_22, %swap3A_23] : memref<1280x128xf32, #tpu.memory_space<vmem>>, vector<30x128xf32>
    tpu.vector_store %arg3[%swap3A_22, %swap3A_23], %broadcast_in_dim3A_21 {strides = array<i32>} : memref<1280x128xf32, #tpu.memory_space<vmem>>, vector<30x128xf32>,
    %swap3A_25 = arith.constant 0 : index
    %swap3A_26 = arith.constant 0 : index
    %swap3A_27 = vector.load %arg4[%swap3A_25, %swap3A_26] : memref<1280x128xf32, #tpu.memory_space<vmem>>, vector<1280x128xf32>
    tpu.vector_store %arg4[%swap3A_25, %swap3A_26], %rsqrt3A {strides = array<i32>} : memref<1280x128xf32, #tpu.memory_space<vmem>>, vector<1280x128xf32>,
    return
  }
}

module attributes {stable_mosaic.version = 14 : i64} {
  func.func @_tc2_body(%arg0: memref<2x1280x128xf32, #tpu.memory_space<vmem>>, %arg1: memref<1280x128xf32, #tpu.memory_space<vmem>>, %arg2: memref<1280x128xf32, #tpu.memory_space<vmem>>, %arg3: memref<1x128xf32, #tpu.memory_space<vmem>>, %arg4: memref<128x128xf32, #tpu.memory_space<vmem>>, %arg5: memref<1280x128xf32, #tpu.memory_space<vmem>>) attributes {dimension_semantics = [], scalar_prefetch = 0 : i64, scratch_operands = 0 : i64, tpu.core_type = #tpu.core_type<tc>} {
    %get3A = arith.constant 0 : index
    %get3A_0 = arith.constant 0 : index
    %get3A_1 = arith.constant 0 : index
    %get3A_2 = vector.load %arg0[%get3A, %get3A_0, %get3A_1] : memref<2x1280x128xf32, #tpu.memory_space<vmem>>, vector<1x1280x128xf32>
    %get3A_3 = vector.shape_cast %get3A_2 : vector<1x1280x128xf32> to vector<1280x128xf32>
    %get3A_4 = arith.constant 1 : index
    %get3A_5 = arith.constant 0 : index
    %get3A_6 = arith.constant 0 : index
    %get3A_7 = vector.load %arg0[%get3A_4, %get3A_5, %get3A_6] : memref<2x1280x128xf32, #tpu.memory_space<vmem>>, vector<1x1280x128xf32>
    %get3A_8 = vector.shape_cast %get3A_7 : vector<1x1280x128xf32> to vector<1280x128xf32>
    %add3A = arith.addf %get3A_3, %get3A_8 : vector<1280x128xf32>
    %get3A_9 = arith.constant 0 : index
    %get3A_10 = arith.constant 0 : index
    %get3A_11 = vector.load %arg1[%get3A_9, %get3A_10] : memref<1280x128xf32, #tpu.memory_space<vmem>>, vector<1280x128xf32>
    %add3A_12 = arith.addf %add3A, %get3A_11 : vector<1280x128xf32>
    %get3A_13 = arith.constant 0 : index
    %get3A_14 = arith.constant 0 : index
    %get3A_15 = vector.load %arg2[%get3A_13, %get3A_14] : memref<1280x128xf32, #tpu.memory_space<vmem>>, vector<1280x128xf32>
    %mul3A = arith.mulf %add3A_12, %get3A_15 : vector<1280x128xf32>
    %get3A_16 = arith.constant 0 : index
    %get3A_17 = arith.constant 0 : index
    %get3A_18 = vector.load %arg3[%get3A_16, %get3A_17] : memref<1x128xf32, #tpu.memory_space<vmem>>, vector<1x128xf32>
    %add3A_19 = vector.broadcast %get3A_18 : vector<1x128xf32> to vector<1280x128xf32>
    %add3A_20 = arith.addf %mul3A, %add3A_19 : vector<1280x128xf32>
    %max3A = arith.constant 0.000000e+00 : f32
    %max3A_21 = vector.broadcast %max3A : f32 to vector<1280x128xf32>
    %max3A_22 = arith.maximumf %add3A_20, %max3A_21 : vector<1280x128xf32>
    %get3A_23 = arith.constant 0 : index
    %get3A_24 = arith.constant 0 : index
    %get3A_25 = vector.load %arg4[%get3A_23, %get3A_24] : memref<128x128xf32, #tpu.memory_space<vmem>>, vector<128x128xf32>
    %dot_general3A = arith.constant dense<0.000000e+00> : vector<1280x128xf32>
    %dot_general3A_26 = tpu.matmul %max3A_22, %get3A_25, %dot_general3A {dimension_numbers = #tpu.dot_dimension_numbers<[1], [0], [0], [1], [0, 0, 1, 1], [], []>, transpose_lhs_hint = false} : vector<1280x128xf32>, vector<128x128xf32>, vector<1280x128xf32> -> vector<1280x128xf32>
    %get3A_27 = arith.constant 0 : index
    %get3A_28 = arith.constant 0 : index
    %get3A_29 = vector.load %arg2[%get3A_27, %get3A_28] : memref<1280x128xf32, #tpu.memory_space<vmem>>, vector<1280x128xf32>
    %mul3A_30 = arith.mulf %dot_general3A_26, %get3A_29 : vector<1280x128xf32>
    %swap3A = arith.constant 0 : index
    %swap3A_31 = arith.constant 0 : index
    %swap3A_32 = vector.load %arg5[%swap3A, %swap3A_31] : memref<1280x128xf32, #tpu.memory_space<vmem>>, vector<1280x128xf32>
    tpu.vector_store %arg5[%swap3A, %swap3A_31], %mul3A_30 {strides = array<i32>} : memref<1280x128xf32, #tpu.memory_space<vmem>>, vector<1280x128xf32>,
    return
  }
}

module attributes {stable_mosaic.version = 14 : i64} {
  func.func @_tc3_body(%arg0: memref<2x1280x128xf32, #tpu.memory_space<vmem>>, %arg1: memref<1280x128xf32, #tpu.memory_space<vmem>>, %arg2: memref<1280x128xf32, #tpu.memory_space<vmem>>, %arg3: memref<1x128xf32, #tpu.memory_space<vmem>>, %arg4: memref<128x128xf32, #tpu.memory_space<vmem>>, %arg5: memref<1280x128xf32, #tpu.memory_space<vmem>>) attributes {dimension_semantics = [], scalar_prefetch = 0 : i64, scratch_operands = 0 : i64, tpu.core_type = #tpu.core_type<tc>} {
    %get3A = arith.constant 0 : index
    %get3A_0 = arith.constant 0 : index
    %get3A_1 = arith.constant 0 : index
    %get3A_2 = vector.load %arg0[%get3A, %get3A_0, %get3A_1] : memref<2x1280x128xf32, #tpu.memory_space<vmem>>, vector<1x1280x128xf32>
    %get3A_3 = vector.shape_cast %get3A_2 : vector<1x1280x128xf32> to vector<1280x128xf32>
    %get3A_4 = arith.constant 1 : index
    %get3A_5 = arith.constant 0 : index
    %get3A_6 = arith.constant 0 : index
    %get3A_7 = vector.load %arg0[%get3A_4, %get3A_5, %get3A_6] : memref<2x1280x128xf32, #tpu.memory_space<vmem>>, vector<1x1280x128xf32>
    %get3A_8 = vector.shape_cast %get3A_7 : vector<1x1280x128xf32> to vector<1280x128xf32>
    %add3A = arith.addf %get3A_3, %get3A_8 : vector<1280x128xf32>
    %get3A_9 = arith.constant 0 : index
    %get3A_10 = arith.constant 0 : index
    %get3A_11 = vector.load %arg1[%get3A_9, %get3A_10] : memref<1280x128xf32, #tpu.memory_space<vmem>>, vector<1280x128xf32>
    %add3A_12 = arith.addf %add3A, %get3A_11 : vector<1280x128xf32>
    %get3A_13 = arith.constant 0 : index
    %get3A_14 = arith.constant 0 : index
    %get3A_15 = vector.load %arg2[%get3A_13, %get3A_14] : memref<1280x128xf32, #tpu.memory_space<vmem>>, vector<1280x128xf32>
    %mul3A = arith.mulf %add3A_12, %get3A_15 : vector<1280x128xf32>
    %get3A_16 = arith.constant 0 : index
    %get3A_17 = arith.constant 0 : index
    %get3A_18 = vector.load %arg3[%get3A_16, %get3A_17] : memref<1x128xf32, #tpu.memory_space<vmem>>, vector<1x128xf32>
    %add3A_19 = vector.broadcast %get3A_18 : vector<1x128xf32> to vector<1280x128xf32>
    %add3A_20 = arith.addf %mul3A, %add3A_19 : vector<1280x128xf32>
    %get3A_21 = arith.constant 0 : index
    %get3A_22 = arith.constant 0 : index
    %get3A_23 = vector.load %arg4[%get3A_21, %get3A_22] : memref<128x128xf32, #tpu.memory_space<vmem>>, vector<128x128xf32>
    %dot_general3A = arith.constant dense<0.000000e+00> : vector<1280x128xf32>
    %dot_general3A_24 = tpu.matmul %add3A_20, %get3A_23, %dot_general3A {dimension_numbers = #tpu.dot_dimension_numbers<[1], [0], [0], [1], [0, 0, 1, 1], [], []>, transpose_lhs_hint = false} : vector<1280x128xf32>, vector<128x128xf32>, vector<1280x128xf32> -> vector<1280x128xf32>
    %mul3A_25 = arith.constant 6.250000e-02 : f32
    %mul3A_26 = vector.broadcast %mul3A_25 : f32 to vector<1280x128xf32>
    %mul3A_27 = arith.mulf %dot_general3A_24, %mul3A_26 : vector<1280x128xf32>
    %sub3A = arith.subf %add3A_20, %mul3A_27 : vector<1280x128xf32>
    %exp3A = math.exp %sub3A : vector<1280x128xf32>
    %dot_general3A_28 = arith.constant dense<0.000000e+00> : vector<1280x128xf32>
    %dot_general3A_29 = tpu.matmul %exp3A, %get3A_23, %dot_general3A_28 {dimension_numbers = #tpu.dot_dimension_numbers<[1], [0], [0], [1], [0, 0, 1, 1], [], []>, transpose_lhs_hint = false} : vector<1280x128xf32>, vector<128x128xf32>, vector<1280x128xf32> -> vector<1280x128xf32>
    %log3A = math.log %dot_general3A_29 : vector<1280x128xf32>
    %sub3A_30 = arith.subf %sub3A, %log3A : vector<1280x128xf32>
    %swap3A = arith.constant 0 : index
    %swap3A_31 = arith.constant 0 : index
    %swap3A_32 = vector.load %arg5[%swap3A, %swap3A_31] : memref<1280x128xf32, #tpu.memory_space<vmem>>, vector<1280x128xf32>
    tpu.vector_store %arg5[%swap3A, %swap3A_31], %sub3A_30 {strides = array<i32>} : memref<1280x128xf32, #tpu.memory_space<vmem>>, vector<1280x128xf32>,
    return
  }
}

</mosaic_0001>

<sc_bundles>
// kernel: kernel.11.cloned.1.call-start
scs
__scs_entry_jumppad:
0x0: {  	(pc) =	sbr.rel $0x88, $3  }
0x1: {  	(tag) =	ssettag $0x0;
	lr =	simm.s32 $0x1  }
0x2: {  	[smem:$0x3F9B] =	sst lr;
	_ =	strace $0xD0000000  }
0x3: {  	_ = 	snop  }
0x4: {  	_ = 	snop  }
0x5: {  	_ = 	snop  }
0x6: {  	_ = 	snop  }
0x7: {  	_ = 	snop  }
__scs_overlays_trampoline_lowered:
0x8: {  	[smem:$0x3FAA] =	sst s0  }
0x9: {  	[smem:$0x3FAB] =	sst s1  }
0xa: {  	[smem:$0x3FAC] =	sst s2  }
0xb: {  	[smem:$0x3FAD] =	sst s3  }
0xc: {  	[smem:$0x3FAE] =	sst s4  }
0xd: {  	[smem:$0x3FAF] =	sst s5  }
0xe: {  	[smem:$0x3FB0] =	sst s6  }
0xf: {  	[smem:$0x3FB1] =	sst s7  }
0x10: {  	[smem:$0x3FB2] =	sst s8  }
0x11: {  	[smem:$0x3FB3] =	sst s9;
	s0 =	simm.s32 @!p0 $0x0  }
0x12: {  	s1 =	sld [smem:$0x3F99];
	s0 =	simm.s32 @p0 $0x1  }
0x13: {  	[smem:$0x3FB4] =	sst s0;
	s0 =	simm.s32 @!p1 $0x0  }
0x14: {  	s2 =	sld [smem:$0x3F98];
	s0 =	simm.s32 @p1 $0x1  }
0x15: {  	[smem:$0x3FB5] =	sst s0;
	s0 =	simm.s32 @!p2 $0x0  }
0x16: {  	s3 =	sld [smem:$0x3FDB];
	s0 =	simm.s32 @p2 $0x1  }
0x17: {  	s4 =	simm.s32 $0x1BF5;
	[smem:$0x3FB7] =	sst s0  }
0x18: {  	s0 =	sld [smem:$0x3F9A];
	_ =	swait.ge [sflag:s4], $0x0  }
0x19: {  	s7 =	sld [smem:$0x3F9B]  }
0x1a: {  	s8 =	sadd.s32 $0xFFFFE003, lr  }
0x1b: {  	s9 =	sadd.s32 $0xFFFFFEF7, lr;
	s5 =	simm.s32 $0xFFFFFFFF;
	p2 =	slt.u32 s8, $0xFFFFF086  }
0x1c: {  	p1 =	slt.u32 s9, $0xF7A;
	s5 =	simm.s32 @!p2 $0x0  }
0x1d: {  	s5 =	simm.s32 @p1 $0x1;
	p0 =	seq.s32 s7, s2  }
0x1e: {  	s7 =	smul.u32 @!p0 $0xF7A, s2;
	p2 =	seq.s32 @!p0 s5, $0x0  }
0x1f: {  	s9 =	smul.u32 $0xF7A, s1;
	s8 =	simm.s32 @!p0 $0x1BF5;
	p2 =	por !p2, p0  }
0x20: {  	[sflag:s8] =	ssyncset.s32 @!p0 $0xFFFFF086;
	s6 =	sadd.s32 @!p0 s3, s7;
	s7 =	simm.s32 @!p0 $0x108  }
0x21: {  	s3 =	sadd.s32 s3, s9;
	s6 =	sadd.s32 @!p0 $0x88, s6;
	s7 =	simm.s32 @p2 $0x1082  }
0x22: {  	[simem:s7], [sflag:s8] =	dma.local @!p0 [hbm:s6], $0xF7A  }
0x23: {  	s9 =	sor.u32 $0xD0000000, s2;
	s6 =	simm.s32 $0x108;
	_ =	swait.ge @!p0 [sflag:s8], $0x0  }
0x24: {  	s3 =	sadd.s32 $0x88, s3;
	s6 =	simm.s32 @!p1 $0x1082;
	[sflag:s4] =	ssyncset.s32 $0xFFFFF086  }
0x25: {  	[simem:s6], [sflag:s4] =	dma.local [hbm:s3], $0xF7A  }
0x26: {  	[smem:$0x3F9B] =	sst s1;
	(tag) =	ssettag s2;
	_ =	strace s9  }
0x27: {  	s1 =	sld [smem:$0x3FAB]  }
0x28: {  	s2 =	sld [smem:$0x3FAC]  }
0x29: {  	s4 =	sld [smem:$0x3FAE]  }
0x2a: {  	p0 =	seq.s32 s5, $0x0;
	s5 =	sld [smem:$0x3FAF]  }
0x2b: {  	s6 =	sld [smem:$0x3FB0]  }
0x2c: {  	s7 =	sld [smem:$0x3FB1]  }
0x2d: {  	s3 =	simm.s32 $0x108;
	s8 =	sld [smem:$0x3FB2]  }
0x2e: {  	s3 =	simm.s32 @!p0 $0x1082;
	s9 =	sld [smem:$0x3FB3]  }
0x2f: {  	lr =	sadd.s32 s0, s3;
	s0 =	sld [smem:$0x3FAA]  }
0x30: {  	s3 =	sld [smem:$0x3FAD]  }
0x31: {  	[smem:$0x3FB6] =	sst s10  }
0x32: {  	s10 =	sld [smem:$0x3FB4];
	_ =	sdelay $0x3  }
0x33: {  	p0 =	seq.s32 s10, $0x1;
	s10 =	sld [smem:$0x3FB6];
	_ =	sdelay $0x3  }
0x34: {  	[smem:$0x3FB6] =	sst s10  }
0x35: {  	s10 =	sld [smem:$0x3FB5];
	_ =	sdelay $0x3  }
0x36: {  	p1 =	seq.s32 s10, $0x1;
	s10 =	sld [smem:$0x3FB6];
	_ =	sdelay $0x3  }
0x37: {  	[smem:$0x3FB6] =	sst s10  }
0x38: {  	s10 =	sld [smem:$0x3FB7]  }
0x39: {  	_ = 	snop;
	(pc) =	sbr.ind lr, $3  }
0x3a: {  	_ = 	snop  }
0x3b: {  	_ = 	snop  }
0x3c: {  	p2 =	seq.s32 s10, $0x1;
	s10 =	sld [smem:$0x3FB6]  }
0x3d: {  	_ =	shalt  }
0x3e: {  	_ =	shalt  }
0x3f: {  	_ =	shalt  }
0x40: {  	_ =	shalt  }
0x41: {  	_ =	shalt  }
0x42: {  	_ =	shalt  }
0x43: {  	_ =	shalt  }
0x44: {  	_ =	shalt  }
0x45: {  	_ =	shalt  }
0x46: {  	_ =	shalt  }
0x47: {  	_ =	shalt  }
0x48: {  	_ =	shalt  }
0x49: {  	_ =	shalt  }
0x4a: {  	_ =	shalt  }
0x4b: {  	_ =	shalt  }
0x4c: {  	_ =	shalt  }
0x4d: {  	_ =	shalt  }
0x4e: {  	_ =	shalt  }
0x4f: {  	_ =	shalt  }
0x50: {  	_ =	shalt  }
0x51: {  	_ =	shalt  }
0x52: {  	_ =	shalt  }
0x53: {  	_ =	shalt  }
0x54: {  	_ =	shalt  }
0x55: {  	_ =	shalt  }
0x56: {  	_ =	shalt  }
0x57: {  	_ =	shalt  }
0x58: {  	_ =	shalt  }
0x59: {  	_ =	shalt  }
0x5a: {  	_ =	shalt  }
0x5b: {  	_ =	shalt  }
0x5c: {  	_ =	shalt  }
0x5d: {  	_ =	shalt  }
0x5e: {  	_ =	shalt  }
0x5f: {  	_ =	shalt  }
0x60: {  	_ =	shalt  }
0x61: {  	_ =	shalt  }
0x62: {  	_ =	shalt  }
0x63: {  	_ =	shalt  }
0x64: {  	_ =	shalt  }
0x65: {  	_ =	shalt  }
0x66: {  	_ =	shalt  }
0x67: {  	_ =	shalt  }
0x68: {  	_ =	shalt  }
0x69: {  	_ =	shalt  }
0x6a: {  	_ =	shalt  }
0x6b: {  	_ =	shalt  }
0x6c: {  	_ =	shalt  }
0x6d: {  	_ =	shalt  }
0x6e: {  	_ =	shalt  }
0x6f: {  	_ =	shalt  }
0x70: {  	_ =	shalt  }
0x71: {  	_ =	shalt  }
0x72: {  	_ =	shalt  }
0x73: {  	_ =	shalt  }
0x74: {  	_ =	shalt  }
0x75: {  	_ =	shalt  }
0x76: {  	_ =	shalt  }
0x77: {  	_ =	shalt  }
0x78: {  	_ =	shalt  }
0x79: {  	_ =	shalt  }
0x7a: {  	_ =	shalt  }
0x7b: {  	_ =	shalt  }
0x7c: {  	_ =	shalt  }
0x7d: {  	_ =	shalt  }
0x7e: {  	_ =	shalt  }
0x7f: {  	_ =	shalt  }
0x80: {  	_ =	shalt  }
0x81: {  	_ =	shalt  }
0x82: {  	_ =	shalt  }
0x83: {  	_ =	shalt  }
0x84: {  	_ =	shalt  }
0x85: {  	_ =	shalt  }
0x86: {  	_ =	shalt  }
0x87: {  	_ =	shalt  }
.Lfunc_end0:
.L_simem_size_0:
called_computation.1_lowered:
.L_overlay_start_0:
0x88: {  	s2 =	sld [smem:$0x3FD9]  }
0x89: {  	s3 =	sld [smem:$0x3FFE];
	_ =	sdelay $0x1  }
0x8a: {  	s1 =	srdreg.scid  }
0x8b: {  	s0 =	sand.u32 $0x1, s1  }
0x8c: {  	s16 =	sshll.u32 s0, $0xA;
	s2 =	sadd.s32 s3, s2  }
0x8d: {  	s2 =	sadd.s32 s2, s16  }
0x8e: {  	[smem:$0x3FC2] =	sst s2  }
0x8f: {  	_ = 	snop  }
0x90: {  	(tm) =	ssettm $0x1  }
0x91: {  	s17 =	sld [smem:$0x3FFB];
	_ =	sdelay $0x3  }
0x92: {  	_ =	strace s17  }
0x93: {  	s2 =	sld [smem:$0x3FFC];
	_ =	sdelay $0x3  }
0x94: {  	_ =	strace s2  }
0x95: {  	s2 =	sld [smem:$0x3FFD];
	_ =	sdelay $0x3  }
0x96: {  	_ =	strace s2  }
0x97: {  	_ =	strace $0x8FFFFFFF  }
0x98: {  	s18 =	sld [smem:$0x3FDB];
	_ =	sdelay $0x1  }
0x99: {  	s19 =	simm.s32 $_scs_section_size  }
0x9a: {  	s4 =	simm.s32 $_size__tile_overlayer_lowered;
	s5 =	simm.s32 $_tile_overlayer_lowered  }
0x9b: {  	s22 =	simm.s32 $0x1BFF;
	s21 =	sshll.u32 s5, $0x1;
	s2 =	sadd.s32 s19, s18  }
0x9c: {  	s6 =	simm.s32 $0x0;
	s20 =	sshll.u32 s4, $0x1;
	s4 =	sadd.s32 s21, s2  }
0x9d: {  	[timem:s6], [sflag:s22] =	dma.local [hbm:s4], s20  }
0x9e: {  	_ =	swait.ge [sflag:s22], s20  }
0x9f: {  	s3 =	ssub.s32 $0x0, s20;
	[sflag:s22] =	ssyncset.done $0x0  }
0xa0: {  	[sflag:s22] =	ssyncadd.s32 s3;
	_ =	sdelay $0x1  }
0xa1: {  	s23 =	simm.s32 $0x1B8B  }
0xa2: {  	_ =	swait.ge [sflag:s23], $0x1  }
0xa3: {  	[sflag:s23] =	ssyncset.done $0x0  }
0xa4: {  	s25 =	simm.s32 $0x1B8E;
	s24 =	sld [smem:$0x3FFE];
	[sflag:s23] =	ssyncadd.s32 $0xFFFFFFFF  }
0xa5: {  	s26 =	simm.s32 $execute0_lowered;
	[smem:$0x3FD2] =	sst s25  }
0xa6: {  	s4 =	sshll.u32 s26, $0x1;
	_ =	strace $0x80000049;
	[dreg:$0x1] =	wrdreg $0xFFFFFFFF  }
0xa7: {  	s28 =	simm.s32 $_size_execute0_lowered;
	s2 =	sadd.s32 s2, s4;
	[dreg:$0x0] =	wrdreg $0x0  }
0xa8: {  	s4 =	sshll.u32 s28, $0x1;
	[dreg:$0x2] =	wrdreg s2  }
0xa9: {  	[dreg:$0x3] =	wrdreg s4  }
0xaa: {  	[dreg:$0x4] =	wrdreg $0xC0  }
0xab: {  	_ =	task [dreg:s6], $0x5FFFF  }
0xac: {  	[dreg:$0x1] =	wrdreg $0xFFFFFFFF  }
0xad: {  	[dreg:$0x0] =	wrdreg $0x60  }
0xae: {  	[dreg:$0x2] =	wrdreg s24  }
0xaf: {  	[dreg:$0x3] =	wrdreg $0x141400  }
0xb0: {  	[dreg:$0x4] =	wrdreg $0x9  }
0xb1: {  	_ =	task.clear_ibuf [dreg:s6], $0x5FFFF;
	_ =	strace $0x90000049  }
0xb2: {  	s29 =	simm.s32 $0x9;
	_ =	strace $0x8000004B  }
0xb3: {  	_ =	swait.ge [sflag:s29], $0x1  }
0xb4: {  	[sflag:s29] =	ssyncadd.s32 $0xFFFFFFFF  }
0xb5: {  	_ =	strace $0x9000004B  }
0xb6: {  	_ =	sfence  }
0xb7: {  	s30 =	sld [smem:$0x0];
	_ =	sdelay $0x2  }
0xb8: {  	s31 =	sshll.u32 s1, $0xD;
	s1 =	sshrl.u32 s1, $0x2  }
0xb9: {  	s3 =	sand.u32 $0x4000, s31;
	s1 =	sadd.s32 s1, s30  }
0xba: {  	s0 =	sor.u32 s3, s0;
	s1 =	sshll.u32 s1, $0x11  }
0xbb: {  	s0 =	sor.u32 s1, s0  }
0xbc: {  	s0 =	sadd.s32 $0x8F2B, s0  }
0xbd: {  	[sflag:s0] =	ssyncadd.remote.s32 $0x1  }
0xbe: {  	_ =	sfence.sel $0xFFFF  }
0xbf: {  	[dreg:$0x0] =	wrdreg $0xFFFFFFFF;
	(pc) =	sbr.abs _section_cstart, $3  }
0xc0: {  	[dreg:$0x1] =	wrdreg $0xFFFFFFFF  }
0xc1: {  	_ =	task.clear_ibuf [dreg:s6], $0x2FFFF;
	_ =	strace $0x9FFFFFFF  }
0xc2: {  	(tm) =	ssettm $0x7FFFFFFF  }
0xc3: {  	_ =	shalt  }
tec
execute0_lowered:
.L_overlay_start_1:
0x0: {  	(tag) =	ssettag $0x1  }
0x1: {  	s5 =	rddreg [dreg:$0x0];
	s0 =	srdreg.scid  }
0x2: {  	s2 =	rddreg [dreg:$0x1];
	s1 =	stileid.u32  }
0x3: {  	s3 =	simm.s32 $0x0;
	s18 =	simm.s32 $0x11940;
	s19 =	simm.s32 $0x3  }
0x4: {  	s20 =	simm.s32 $0x7D0;
	s21 =	simm.s32 $0x1F40;
	s22 =	simm.s32 $0xFA0  }
0x5: {  	s23 =	simm.s32 $0x1770;
	s24 =	simm.s32 $0x9C40;
	s25 =	simm.s32 $0x1  }
0x6: {  	s26 =	simm.s32 $0x2;
	s28 =	simm.s32 $0x0;
	s6 =	sand.u32 $0x1, s0  }
0x7: {  	s0 =	rddreg [dreg:$0x2];
	s7 =	smul.u32 $0x2800, s1;
	s4 =	sshll.u32 s6, $0x4  }
0x8: {  	[smem:$0x7FF] =	sst s3;
	s8 =	smul.u32 $0x28000, s6;
	s4 =	sor.u32 s1, s4  }
0x9: {  	_ =	strace $0x8000004A;
	s6 =	ssub.s32 $0x2, s6;
	s9 =	smul.u32 $0x2710, s4  }
0xa: {  	s31 =	sshrl.u32 s6, $0x1;
	s4 =	sadd.s32 $0x16600, s5;
	s8 =	sadd.s32 s7, s8  }
0xb: {  	s17 =	ssub.s32 s6, s31;
	s8 =	sshrl.u32 s8, $0x3;
	s9 =	sshrl.u32 s9, $0x3  }
0xc: {  	s17 =	smax.u32 s17, $0x1;
	s16 =	sadd.s32 s8, s5;
	s15 =	sadd.s32 s9, s5  }
0xd: {  	s5 =	sadd.s32 s7, s2;
	s16 =	sadd.s32 $0x1B600, s16;
	s6 =	sadd.s32 $0x2C00, s15  }
0xe: {  	s7 =	sadd.s32 $0xC840, s15;
	s8 =	sadd.s32 $0x2CFA, s15;
	s9 =	sadd.s32 $0xC93A, s15  }
0xf: {  	s10 =	sadd.s32 $0x2DF4, s15;
	s11 =	sadd.s32 $0xCA34, s15;
	s12 =	sadd.s32 $0x2EEE, s15  }
0x10: {  	v0 =	vimm.f32 $0.0e+00;
	s13 =	sadd.s32 $0xCB2E, s15;
	s14 =	sadd.s32 $0x2FE8, s15;
	s15 =	sadd.s32 $0xCC28, s15  }
.LBB2_1:
0x11: {  	s29 =	simm.s32 $0x0;
	s30 =	simm.s32 $0x200  }
.LBB2_2:
0x12: {  	p0 =	sne.s32 s30, $0x9E00;
	[tilespmem:s29+$0x119B0] =	vst v0  }
0x13: {  	[tilespmem:s29+$0x11940] =	vst v0  }
0x14: {  	[tilespmem:s29+$0x11950] =	vst v0  }
.Ltmp0:
0x15: {  	[tilespmem:s29+$0x11960] =	vst v0;
	(pc) =	sbr.rel @p0 .LBB2_2-.Ltmp0, $4  }
0x16: {  	[tilespmem:s29+$0x11970] =	vst v0  }
0x17: {  	[tilespmem:s29+$0x11980] =	vst v0  }
0x18: {  	[tilespmem:s29+$0x11990] =	vst v0  }
0x19: {  	[tilespmem:s29+$0x119A0] =	vst v0;
	s29 =	sshra.s32 s30, $0x2;
	s30 =	sadd.s32 $0x200, s30  }
0x1a: {  	[tilespmem:s29+$0x119B0] =	vst v0  }
0x1b: {  	[tilespmem:s29+$0x11940] =	vst v0  }
0x1c: {  	[tilespmem:s29+$0x11950] =	vst v0  }
0x1d: {  	[tilespmem:s29+$0x11960] =	vst v0  }
0x1e: {  	[tilespmem:s29+$0x11970] =	vst v0  }
0x1f: {  	[tilespmem:s29+$0x11980] =	vst v0  }
0x20: {  	[tilespmem:s29+$0x11990] =	vst v0  }
0x21: {  	[tilespmem:s29+$0x119A0] =	vst v0  }
0x22: {  	[spmem:s5] =	stream.linear.scatter [tilespmem:s18], [sflag:$0x3], $0x2800, $0x38;
	[tilespmem:$0x16940] =	vst v63  }
0x23: {  	_ =	swait.ge [sflag:s19], $0x2800  }
0x24: {  	[sflag:s19] =	ssyncset.done $0x0  }
0x25: {  	[sflag:s19] =	ssyncadd.s32 $0xFFFFD800  }
0x26: {  	[bflag:$0x0] =	sbarrier.arrive $0xFFFF  }
0x27: {  	[tilespmem:s3], [sflag:$0x3] =	stream.linear.gather [hbm4b:s6+s3], $0x7D0, $0x38;
	[tilespmem:$0x16940] =	vst v63  }
0x28: {  	_ =	swait.ge [sflag:s19], $0x7D0  }
0x29: {  	[sflag:s19] =	ssyncset.done $0x0  }
0x2a: {  	[sflag:s19] =	ssyncadd.s32 $0xFFFFF830  }
0x2b: {  	[tilespmem:s20], [sflag:$0x3] =	stream.linear.gather [hbm4b:s7+s3], $0x7D0, $0x38;
	[tilespmem:$0x16940] =	vst v63  }
0x2c: {  	_ =	swait.ge [sflag:s19], $0x7D0  }
0x2d: {  	[sflag:s19] =	ssyncset.done $0x0  }
0x2e: {  	[sflag:s19] =	ssyncadd.s32 $0xFFFFF830  }
0x2f: {  	[tilespmem:s21], [sflag:$0x1] =	stream.indirect.gather [hbm4b:s4+s20], $0x10, s3, s20, $0xb8;
	[tilespmem:$0x16940] =	vst v63  }
0x30: {  	_ = 	snop  }
0x31: {  	[tilespmem:s22], [sflag:$0x3] =	stream.linear.gather [hbm4b:s8+s3], $0x7D0, $0x38;
	[tilespmem:$0x16940] =	vst v63  }
0x32: {  	_ =	swait.ge [sflag:s19], $0x7D0  }
0x33: {  	[sflag:s19] =	ssyncset.done $0x0  }
0x34: {  	[sflag:s19] =	ssyncadd.s32 $0xFFFFF830  }
0x35: {  	[tilespmem:s23], [sflag:$0x3] =	stream.linear.gather [hbm4b:s9+s3], $0x7D0, $0x38;
	[tilespmem:$0x16940] =	vst v63  }
0x36: {  	_ =	swait.ge [sflag:s19], $0x7D0  }
0x37: {  	[sflag:s19] =	ssyncset.done $0x0  }
0x38: {  	[sflag:s19] =	ssyncadd.s32 $0xFFFFF830  }
0x39: {  	[tilespmem:s24], [sflag:$0x2] =	stream.indirect.gather [hbm4b:s4+s20], $0x10, s22, s20, $0xb8;
	[tilespmem:$0x16940] =	vst v63  }
0x3a: {  	_ =	swait.ge [sflag:s25], $0x7D00  }
0x3b: {  	[sflag:s25] =	ssyncset.done $0x0  }
0x3c: {  	[sflag:s25] =	ssyncadd.s32 $0xFFFF8300  }
0x3d: {  	[spmem:s2] =	stream.indirect.scatter.add.f32 [tilespmem:s21], [sflag:$0x3], $0x10, s20, s20, $0xb8;
	[tilespmem:$0x16940] =	vst v63  }
0x3e: {  	_ =	swait.ge [sflag:s19], $0x7D00  }
0x3f: {  	[sflag:s19] =	ssyncset.done $0x0  }
0x40: {  	[sflag:s19] =	ssyncadd.s32 $0xFFFF8300  }
0x41: {  	[tilespmem:s3], [sflag:$0x3] =	stream.linear.gather [hbm4b:s10+s3], $0x7D0, $0x38;
	[tilespmem:$0x16940] =	vst v63  }
0x42: {  	_ =	swait.ge [sflag:s19], $0x7D0  }
0x43: {  	[sflag:s19] =	ssyncset.done $0x0  }
0x44: {  	[sflag:s19] =	ssyncadd.s32 $0xFFFFF830  }
0x45: {  	[tilespmem:s20], [sflag:$0x3] =	stream.linear.gather [hbm4b:s11+s3], $0x7D0, $0x38;
	[tilespmem:$0x16940] =	vst v63  }
0x46: {  	_ =	swait.ge [sflag:s19], $0x7D0  }
0x47: {  	[sflag:s19] =	ssyncset.done $0x0  }
0x48: {  	[sflag:s19] =	ssyncadd.s32 $0xFFFFF830  }
0x49: {  	[tilespmem:s21], [sflag:$0x1] =	stream.indirect.gather [hbm4b:s4+s20], $0x10, s3, s20, $0xb8;
	[tilespmem:$0x16940] =	vst v63  }
0x4a: {  	_ =	swait.ge [sflag:s26], $0x7D00  }
0x4b: {  	[sflag:s26] =	ssyncset.done $0x0  }
0x4c: {  	[sflag:s26] =	ssyncadd.s32 $0xFFFF8300  }
0x4d: {  	[spmem:s2] =	stream.indirect.scatter.add.f32 [tilespmem:s24], [sflag:$0x3], $0x10, s23, s20, $0xb8;
	[tilespmem:$0x16940] =	vst v63  }
0x4e: {  	_ =	swait.ge [sflag:s19], $0x7D00  }
0x4f: {  	[sflag:s19] =	ssyncset.done $0x0  }
0x50: {  	[sflag:s19] =	ssyncadd.s32 $0xFFFF8300  }
0x51: {  	[tilespmem:s22], [sflag:$0x3] =	stream.linear.gather [hbm4b:s12+s3], $0x7D0, $0x38;
	[tilespmem:$0x16940] =	vst v63  }
0x52: {  	_ =	swait.ge [sflag:s19], $0x7D0  }
0x53: {  	[sflag:s19] =	ssyncset.done $0x0  }
0x54: {  	[sflag:s19] =	ssyncadd.s32 $0xFFFFF830  }
0x55: {  	[tilespmem:s23], [sflag:$0x3] =	stream.linear.gather [hbm4b:s13+s3], $0x7D0, $0x38;
	[tilespmem:$0x16940] =	vst v63  }
0x56: {  	_ =	swait.ge [sflag:s19], $0x7D0  }
0x57: {  	[sflag:s19] =	ssyncset.done $0x0  }
0x58: {  	[sflag:s19] =	ssyncadd.s32 $0xFFFFF830  }
0x59: {  	[tilespmem:s24], [sflag:$0x2] =	stream.indirect.gather [hbm4b:s4+s20], $0x10, s22, s20, $0xb8;
	[tilespmem:$0x16940] =	vst v63  }
0x5a: {  	_ =	swait.ge [sflag:s25], $0x7D00  }
0x5b: {  	[sflag:s25] =	ssyncset.done $0x0  }
0x5c: {  	[sflag:s25] =	ssyncadd.s32 $0xFFFF8300  }
0x5d: {  	[spmem:s2] =	stream.indirect.scatter.add.f32 [tilespmem:s21], [sflag:$0x3], $0x10, s20, s20, $0xb8;
	[tilespmem:$0x16940] =	vst v63  }
0x5e: {  	_ =	swait.ge [sflag:s19], $0x7D00  }
0x5f: {  	[sflag:s19] =	ssyncset.done $0x0  }
0x60: {  	[sflag:s19] =	ssyncadd.s32 $0xFFFF8300  }
0x61: {  	[tilespmem:s3], [sflag:$0x3] =	stream.linear.gather [hbm4b:s14+s3], $0x7D0, $0x38;
	[tilespmem:$0x16940] =	vst v63  }
0x62: {  	_ =	swait.ge [sflag:s19], $0x7D0  }
0x63: {  	[sflag:s19] =	ssyncset.done $0x0  }
0x64: {  	[sflag:s19] =	ssyncadd.s32 $0xFFFFF830  }
0x65: {  	[tilespmem:s20], [sflag:$0x3] =	stream.linear.gather [hbm4b:s15+s3], $0x7D0, $0x38;
	[tilespmem:$0x16940] =	vst v63  }
0x66: {  	_ =	swait.ge [sflag:s19], $0x7D0  }
0x67: {  	[sflag:s19] =	ssyncset.done $0x0  }
0x68: {  	[sflag:s19] =	ssyncadd.s32 $0xFFFFF830  }
0x69: {  	[tilespmem:s21], [sflag:$0x1] =	stream.indirect.gather [hbm4b:s4+s20], $0x10, s3, s20, $0xb8;
	[tilespmem:$0x16940] =	vst v63  }
0x6a: {  	_ =	swait.ge [sflag:s26], $0x7D00  }
0x6b: {  	[sflag:s26] =	ssyncset.done $0x0  }
0x6c: {  	[sflag:s26] =	ssyncadd.s32 $0xFFFF8300  }
0x6d: {  	[spmem:s2] =	stream.indirect.scatter.add.f32 [tilespmem:s24], [sflag:$0x3], $0x10, s23, s20, $0xb8;
	[tilespmem:$0x16940] =	vst v63  }
0x6e: {  	_ =	swait.ge [sflag:s19], $0x7D00  }
0x6f: {  	[sflag:s19] =	ssyncset.done $0x0  }
0x70: {  	[sflag:s19] =	ssyncadd.s32 $0xFFFF8300  }
0x71: {  	_ =	swait.ge [sflag:s25], $0x7D00  }
0x72: {  	[sflag:s25] =	ssyncset.done $0x0  }
0x73: {  	[sflag:s25] =	ssyncadd.s32 $0xFFFF8300  }
0x74: {  	[spmem:s2] =	stream.indirect.scatter.add.f32 [tilespmem:s21], [sflag:$0x3], $0x10, s20, s20, $0xb8;
	[tilespmem:$0x16940] =	vst v63  }
0x75: {  	_ =	swait.ge [sflag:s19], $0x7D00  }
0x76: {  	s31 =	sshll.u32 s1, $0x6;
	s28 =	sadd.s32 $0x1, s28;
	[sflag:s19] =	ssyncset.done $0x0  }
0x77: {  	s30 =	sshrl.u32 s5, $0x3;
	p0 =	sne.s32 s28, s17;
	[sflag:s19] =	ssyncadd.s32 $0xFFFF8300  }
.Ltmp1:
0x78: {  	s29 =	sor.u32 $0x1C03, s31;
	[bflag:$0x0] =	sbarrier.arrive $0xFFFF;
	(pc) =	sbr.rel @p0 .LBB2_1-.Ltmp1, $4  }
0x79: {  	[hbm:s16], [sflag:s29] =	dma.local [spmem:s30], $0x500  }
0x7a: {  	_ =	swait.ge [sflag:s19], $0x500  }
0x7b: {  	[sflag:s19] =	ssyncset.done $0x0  }
0x7c: {  	[sflag:s19] =	ssyncadd.s32 $0xFFFFFB00  }
0x7d: {  	_ =	sfence.sel $0x180000  }
0x7e: {  	[bflag:$0x0] =	sbarrier.arrive $0xFFFF  }
0x7f: {  	p0 =	sne.s32 s1, $0x0;
	_ =	strace $0x9000004A  }
0x80: {  	s0 =	sadd.s32 @!p0 $0x100000, s0;
	[bflag:$0x2] =	sbarrier.arrive $0xFFFF  }
0x81: {  	[sflag:s0] =	ssyncadd.tile.s32 @!p0 $0x1;
	_ =	shalt  }
.Lfunc_end2:
_tile_overlayer_lowered:
.L_overlay_start_2:
0x82: {  	(tag) =	ssettag $0x2  }
0x83: {  	s0 =	rddreg [dreg:$0x0];
	s2 =	stileid.u32  }
0x84: {  	s1 =	rddreg [dreg:$0x1];
	p0 =	sne.s32 s2, $0x0  }
0x85: {  	s3 =	rddreg [dreg:$0x2];
	[bflag:$0x3] =	sbarrier.arrive $0xFFFF;
	s2 =	simm.s32 @!p0 $0x1C03  }
0x86: {  	[timem:s3], [sflag:s2] =	dma.local @!p0 [hbm:s0], s1  }
0x87: {  	s0 =	simm.s32 @!p0 $0x3  }
0x88: {  	_ =	swait.ge @!p0 [sflag:s0], s1  }
0x89: {  	s1 =	ssub.s32 @!p0 $0x0, s1;
	[sflag:s0] =	ssyncset.done @!p0 $0x0  }
0x8a: {  	[sflag:s0] =	ssyncadd.s32 @!p0 s1  }
0x8b: {  	[bflag:$0x3] =	sbarrier.arrive $0xFFFF  }
0x8c: {  	_ =	shalt  }

// kernel: kernel.14.cloned.1.call-start
scs
__scs_entry_jumppad:
0x0: {  	(pc) =	sbr.rel $0x88, $3  }
0x1: {  	(tag) =	ssettag $0x0;
	lr =	simm.s32 $0x1  }
0x2: {  	[smem:$0x3F9B] =	sst lr;
	_ =	strace $0xD0000000  }
0x3: {  	_ = 	snop  }
0x4: {  	_ = 	snop  }
0x5: {  	_ = 	snop  }
0x6: {  	_ = 	snop  }
0x7: {  	_ = 	snop  }
__scs_overlays_trampoline_lowered:
0x8: {  	[smem:$0x3FAA] =	sst s0  }
0x9: {  	[smem:$0x3FAB] =	sst s1  }
0xa: {  	[smem:$0x3FAC] =	sst s2  }
0xb: {  	[smem:$0x3FAD] =	sst s3  }
0xc: {  	[smem:$0x3FAE] =	sst s4  }
0xd: {  	[smem:$0x3FAF] =	sst s5  }
0xe: {  	[smem:$0x3FB0] =	sst s6  }
0xf: {  	[smem:$0x3FB1] =	sst s7  }
0x10: {  	[smem:$0x3FB2] =	sst s8  }
0x11: {  	[smem:$0x3FB3] =	sst s9;
	s0 =	simm.s32 @!p0 $0x0  }
0x12: {  	s1 =	sld [smem:$0x3F99];
	s0 =	simm.s32 @p0 $0x1  }
0x13: {  	[smem:$0x3FB4] =	sst s0;
	s0 =	simm.s32 @!p1 $0x0  }
0x14: {  	s2 =	sld [smem:$0x3F98];
	s0 =	simm.s32 @p1 $0x1  }
0x15: {  	[smem:$0x3FB5] =	sst s0;
	s0 =	simm.s32 @!p2 $0x0  }
0x16: {  	s3 =	sld [smem:$0x3FDB];
	s0 =	simm.s32 @p2 $0x1  }
0x17: {  	s4 =	simm.s32 $0x1BF5;
	[smem:$0x3FB7] =	sst s0  }
0x18: {  	s0 =	sld [smem:$0x3F9A];
	_ =	swait.ge [sflag:s4], $0x0  }
0x19: {  	s7 =	sld [smem:$0x3F9B]  }
0x1a: {  	s8 =	sadd.s32 $0xFFFFE003, lr  }
0x1b: {  	s9 =	sadd.s32 $0xFFFFFEF7, lr;
	s5 =	simm.s32 $0xFFFFFFFF;
	p2 =	slt.u32 s8, $0xFFFFF086  }
0x1c: {  	p1 =	slt.u32 s9, $0xF7A;
	s5 =	simm.s32 @!p2 $0x0  }
0x1d: {  	s5 =	simm.s32 @p1 $0x1;
	p0 =	seq.s32 s7, s2  }
0x1e: {  	s7 =	smul.u32 @!p0 $0xF7A, s2;
	p2 =	seq.s32 @!p0 s5, $0x0  }
0x1f: {  	s9 =	smul.u32 $0xF7A, s1;
	s8 =	simm.s32 @!p0 $0x1BF5;
	p2 =	por !p2, p0  }
0x20: {  	[sflag:s8] =	ssyncset.s32 @!p0 $0xFFFFF086;
	s6 =	sadd.s32 @!p0 s3, s7;
	s7 =	simm.s32 @!p0 $0x108  }
0x21: {  	s3 =	sadd.s32 s3, s9;
	s6 =	sadd.s32 @!p0 $0x88, s6;
	s7 =	simm.s32 @p2 $0x1082  }
0x22: {  	[simem:s7], [sflag:s8] =	dma.local @!p0 [hbm:s6], $0xF7A  }
0x23: {  	s9 =	sor.u32 $0xD0000000, s2;
	s6 =	simm.s32 $0x108;
	_ =	swait.ge @!p0 [sflag:s8], $0x0  }
0x24: {  	s3 =	sadd.s32 $0x88, s3;
	s6 =	simm.s32 @!p1 $0x1082;
	[sflag:s4] =	ssyncset.s32 $0xFFFFF086  }
0x25: {  	[simem:s6], [sflag:s4] =	dma.local [hbm:s3], $0xF7A  }
0x26: {  	[smem:$0x3F9B] =	sst s1;
	(tag) =	ssettag s2;
	_ =	strace s9  }
0x27: {  	s1 =	sld [smem:$0x3FAB]  }
0x28: {  	s2 =	sld [smem:$0x3FAC]  }
0x29: {  	s4 =	sld [smem:$0x3FAE]  }
0x2a: {  	p0 =	seq.s32 s5, $0x0;
	s5 =	sld [smem:$0x3FAF]  }
0x2b: {  	s6 =	sld [smem:$0x3FB0]  }
0x2c: {  	s7 =	sld [smem:$0x3FB1]  }
0x2d: {  	s3 =	simm.s32 $0x108;
	s8 =	sld [smem:$0x3FB2]  }
0x2e: {  	s3 =	simm.s32 @!p0 $0x1082;
	s9 =	sld [smem:$0x3FB3]  }
0x2f: {  	lr =	sadd.s32 s0, s3;
	s0 =	sld [smem:$0x3FAA]  }
0x30: {  	s3 =	sld [smem:$0x3FAD]  }
0x31: {  	[smem:$0x3FB6] =	sst s10  }
0x32: {  	s10 =	sld [smem:$0x3FB4];
	_ =	sdelay $0x3  }
0x33: {  	p0 =	seq.s32 s10, $0x1;
	s10 =	sld [smem:$0x3FB6];
	_ =	sdelay $0x3  }
0x34: {  	[smem:$0x3FB6] =	sst s10  }
0x35: {  	s10 =	sld [smem:$0x3FB5];
	_ =	sdelay $0x3  }
0x36: {  	p1 =	seq.s32 s10, $0x1;
	s10 =	sld [smem:$0x3FB6];
	_ =	sdelay $0x3  }
0x37: {  	[smem:$0x3FB6] =	sst s10  }
0x38: {  	s10 =	sld [smem:$0x3FB7]  }
0x39: {  	_ = 	snop;
	(pc) =	sbr.ind lr, $3  }
0x3a: {  	_ = 	snop  }
0x3b: {  	_ = 	snop  }
0x3c: {  	p2 =	seq.s32 s10, $0x1;
	s10 =	sld [smem:$0x3FB6]  }
0x3d: {  	_ =	shalt  }
0x3e: {  	_ =	shalt  }
0x3f: {  	_ =	shalt  }
0x40: {  	_ =	shalt  }
0x41: {  	_ =	shalt  }
0x42: {  	_ =	shalt  }
0x43: {  	_ =	shalt  }
0x44: {  	_ =	shalt  }
0x45: {  	_ =	shalt  }
0x46: {  	_ =	shalt  }
0x47: {  	_ =	shalt  }
0x48: {  	_ =	shalt  }
0x49: {  	_ =	shalt  }
0x4a: {  	_ =	shalt  }
0x4b: {  	_ =	shalt  }
0x4c: {  	_ =	shalt  }
0x4d: {  	_ =	shalt  }
0x4e: {  	_ =	shalt  }
0x4f: {  	_ =	shalt  }
0x50: {  	_ =	shalt  }
0x51: {  	_ =	shalt  }
0x52: {  	_ =	shalt  }
0x53: {  	_ =	shalt  }
0x54: {  	_ =	shalt  }
0x55: {  	_ =	shalt  }
0x56: {  	_ =	shalt  }
0x57: {  	_ =	shalt  }
0x58: {  	_ =	shalt  }
0x59: {  	_ =	shalt  }
0x5a: {  	_ =	shalt  }
0x5b: {  	_ =	shalt  }
0x5c: {  	_ =	shalt  }
0x5d: {  	_ =	shalt  }
0x5e: {  	_ =	shalt  }
0x5f: {  	_ =	shalt  }
0x60: {  	_ =	shalt  }
0x61: {  	_ =	shalt  }
0x62: {  	_ =	shalt  }
0x63: {  	_ =	shalt  }
0x64: {  	_ =	shalt  }
0x65: {  	_ =	shalt  }
0x66: {  	_ =	shalt  }
0x67: {  	_ =	shalt  }
0x68: {  	_ =	shalt  }
0x69: {  	_ =	shalt  }
0x6a: {  	_ =	shalt  }
0x6b: {  	_ =	shalt  }
0x6c: {  	_ =	shalt  }
0x6d: {  	_ =	shalt  }
0x6e: {  	_ =	shalt  }
0x6f: {  	_ =	shalt  }
0x70: {  	_ =	shalt  }
0x71: {  	_ =	shalt  }
0x72: {  	_ =	shalt  }
0x73: {  	_ =	shalt  }
0x74: {  	_ =	shalt  }
0x75: {  	_ =	shalt  }
0x76: {  	_ =	shalt  }
0x77: {  	_ =	shalt  }
0x78: {  	_ =	shalt  }
0x79: {  	_ =	shalt  }
0x7a: {  	_ =	shalt  }
0x7b: {  	_ =	shalt  }
0x7c: {  	_ =	shalt  }
0x7d: {  	_ =	shalt  }
0x7e: {  	_ =	shalt  }
0x7f: {  	_ =	shalt  }
0x80: {  	_ =	shalt  }
0x81: {  	_ =	shalt  }
0x82: {  	_ =	shalt  }
0x83: {  	_ =	shalt  }
0x84: {  	_ =	shalt  }
0x85: {  	_ =	shalt  }
0x86: {  	_ =	shalt  }
0x87: {  	_ =	shalt  }
.Lfunc_end0:
.L_simem_size_0:
called_computation.2_lowered:
.L_overlay_start_0:
0x88: {  	s2 =	sld [smem:$0x3FD9]  }
0x89: {  	s3 =	sld [smem:$0x3FFE];
	_ =	sdelay $0x1  }
0x8a: {  	s1 =	srdreg.scid  }
0x8b: {  	s0 =	sand.u32 $0x1, s1  }
0x8c: {  	s16 =	sshll.u32 s0, $0xA;
	s2 =	sadd.s32 s3, s2  }
0x8d: {  	s2 =	sadd.s32 s2, s16  }
0x8e: {  	[smem:$0x3FC2] =	sst s2  }
0x8f: {  	_ = 	snop  }
0x90: {  	(tm) =	ssettm $0x1  }
0x91: {  	s17 =	sld [smem:$0x3FFB];
	_ =	sdelay $0x3  }
0x92: {  	_ =	strace s17  }
0x93: {  	s2 =	sld [smem:$0x3FFC];
	_ =	sdelay $0x3  }
0x94: {  	_ =	strace s2  }
0x95: {  	s2 =	sld [smem:$0x3FFD];
	_ =	sdelay $0x3  }
0x96: {  	_ =	strace s2  }
0x97: {  	_ =	strace $0x8FFFFFFF  }
0x98: {  	s18 =	sld [smem:$0x3FDB];
	_ =	sdelay $0x1  }
0x99: {  	s19 =	simm.s32 $_scs_section_size  }
0x9a: {  	s4 =	simm.s32 $_size__tile_overlayer_lowered;
	s5 =	simm.s32 $_tile_overlayer_lowered  }
0x9b: {  	s22 =	simm.s32 $0x1BFF;
	s21 =	sshll.u32 s5, $0x1;
	s2 =	sadd.s32 s19, s18  }
0x9c: {  	s6 =	simm.s32 $0x0;
	s20 =	sshll.u32 s4, $0x1;
	s4 =	sadd.s32 s21, s2  }
0x9d: {  	[timem:s6], [sflag:s22] =	dma.local [hbm:s4], s20  }
0x9e: {  	_ =	swait.ge [sflag:s22], s20  }
0x9f: {  	s3 =	ssub.s32 $0x0, s20;
	[sflag:s22] =	ssyncset.done $0x0  }
0xa0: {  	[sflag:s22] =	ssyncadd.s32 s3;
	_ =	sdelay $0x1  }
0xa1: {  	s23 =	simm.s32 $0x1B8B  }
0xa2: {  	_ =	swait.ge [sflag:s23], $0x1  }
0xa3: {  	[sflag:s23] =	ssyncset.done $0x0  }
0xa4: {  	s25 =	simm.s32 $0x1B8E;
	s24 =	sld [smem:$0x3FFE];
	[sflag:s23] =	ssyncadd.s32 $0xFFFFFFFF  }
0xa5: {  	s26 =	simm.s32 $execute0_lowered;
	[smem:$0x3FD2] =	sst s25  }
0xa6: {  	s4 =	sshll.u32 s26, $0x1;
	_ =	strace $0x8000004C;
	[dreg:$0x1] =	wrdreg $0xFFFFFFFF  }
0xa7: {  	s28 =	simm.s32 $_size_execute0_lowered;
	s2 =	sadd.s32 s2, s4;
	[dreg:$0x0] =	wrdreg $0x0  }
0xa8: {  	s4 =	sshll.u32 s28, $0x1;
	[dreg:$0x2] =	wrdreg s2  }
0xa9: {  	[dreg:$0x3] =	wrdreg s4  }
0xaa: {  	[dreg:$0x4] =	wrdreg $0xC0  }
0xab: {  	_ =	task [dreg:s6], $0x5FFFF  }
0xac: {  	[dreg:$0x1] =	wrdreg $0xFFFFFFFF  }
0xad: {  	[dreg:$0x0] =	wrdreg $0x60  }
0xae: {  	[dreg:$0x2] =	wrdreg s24  }
0xaf: {  	[dreg:$0x3] =	wrdreg $0x141400  }
0xb0: {  	[dreg:$0x4] =	wrdreg $0x9  }
0xb1: {  	_ =	task.clear_ibuf [dreg:s6], $0x5FFFF;
	_ =	strace $0x9000004C  }
0xb2: {  	s29 =	simm.s32 $0x9;
	_ =	strace $0x8000004E  }
0xb3: {  	_ =	swait.ge [sflag:s29], $0x1  }
0xb4: {  	[sflag:s29] =	ssyncadd.s32 $0xFFFFFFFF  }
0xb5: {  	_ =	strace $0x9000004E  }
0xb6: {  	_ =	sfence  }
0xb7: {  	s30 =	sld [smem:$0x0];
	_ =	sdelay $0x2  }
0xb8: {  	s31 =	sshll.u32 s1, $0xD;
	s1 =	sshrl.u32 s1, $0x2  }
0xb9: {  	s3 =	sand.u32 $0x4000, s31;
	s1 =	sadd.s32 s1, s30  }
0xba: {  	s0 =	sor.u32 s3, s0;
	s1 =	sshll.u32 s1, $0x11  }
0xbb: {  	s0 =	sor.u32 s1, s0  }
0xbc: {  	s0 =	sadd.s32 $0x8F2B, s0  }
0xbd: {  	[sflag:s0] =	ssyncadd.remote.s32 $0x1  }
0xbe: {  	_ =	sfence.sel $0xFFFF  }
0xbf: {  	[dreg:$0x0] =	wrdreg $0xFFFFFFFF;
	(pc) =	sbr.abs _section_cstart, $3  }
0xc0: {  	[dreg:$0x1] =	wrdreg $0xFFFFFFFF  }
0xc1: {  	_ =	task.clear_ibuf [dreg:s6], $0x2FFFF;
	_ =	strace $0x9FFFFFFF  }
0xc2: {  	(tm) =	ssettm $0x7FFFFFFF  }
0xc3: {  	_ =	shalt  }
tec
execute0_lowered:
.L_overlay_start_1:
0x0: {  	(tag) =	ssettag $0x1  }
0x1: {  	s5 =	rddreg [dreg:$0x0];
	s0 =	srdreg.scid  }
0x2: {  	s2 =	rddreg [dreg:$0x1];
	s1 =	stileid.u32  }
0x3: {  	s3 =	simm.s32 $0x0;
	s18 =	simm.s32 $0x11940;
	s19 =	simm.s32 $0x3  }
0x4: {  	s20 =	simm.s32 $0x7D0;
	s21 =	simm.s32 $0x1F40;
	s22 =	simm.s32 $0xFA0  }
0x5: {  	s23 =	simm.s32 $0x1770;
	s24 =	simm.s32 $0x9C40;
	s25 =	simm.s32 $0x1  }
0x6: {  	s26 =	simm.s32 $0x2;
	s28 =	simm.s32 $0x0;
	s6 =	sand.u32 $0x1, s0  }
0x7: {  	s0 =	rddreg [dreg:$0x2];
	s7 =	smul.u32 $0x2800, s1;
	s4 =	sshll.u32 s6, $0x4  }
0x8: {  	[smem:$0x7FF] =	sst s3;
	s8 =	smul.u32 $0x28000, s6;
	s4 =	sor.u32 s1, s4  }
0x9: {  	_ =	strace $0x8000004D;
	s6 =	ssub.s32 $0x2, s6;
	s9 =	smul.u32 $0x2710, s4  }
0xa: {  	s31 =	sshrl.u32 s6, $0x1;
	s4 =	sadd.s32 $0x16600, s5;
	s8 =	sadd.s32 s7, s8  }
0xb: {  	s17 =	ssub.s32 s6, s31;
	s8 =	sshrl.u32 s8, $0x3;
	s9 =	sshrl.u32 s9, $0x3  }
0xc: {  	s17 =	smax.u32 s17, $0x1;
	s16 =	sadd.s32 s8, s5;
	s15 =	sadd.s32 s9, s5  }
0xd: {  	s5 =	sadd.s32 s7, s2;
	s16 =	sadd.s32 $0x1B600, s16;
	s6 =	sadd.s32 $0x2C00, s15  }
0xe: {  	s7 =	sadd.s32 $0xC840, s15;
	s8 =	sadd.s32 $0x2CFA, s15;
	s9 =	sadd.s32 $0xC93A, s15  }
0xf: {  	s10 =	sadd.s32 $0x2DF4, s15;
	s11 =	sadd.s32 $0xCA34, s15;
	s12 =	sadd.s32 $0x2EEE, s15  }
0x10: {  	v0 =	vimm.f32 $0.0e+00;
	s13 =	sadd.s32 $0xCB2E, s15;
	s14 =	sadd.s32 $0x2FE8, s15;
	s15 =	sadd.s32 $0xCC28, s15  }
.LBB2_1:
0x11: {  	s29 =	simm.s32 $0x0;
	s30 =	simm.s32 $0x200  }
.LBB2_2:
0x12: {  	p0 =	sne.s32 s30, $0x9E00;
	[tilespmem:s29+$0x119B0] =	vst v0  }
0x13: {  	[tilespmem:s29+$0x11940] =	vst v0  }
0x14: {  	[tilespmem:s29+$0x11950] =	vst v0  }
.Ltmp0:
0x15: {  	[tilespmem:s29+$0x11960] =	vst v0;
	(pc) =	sbr.rel @p0 .LBB2_2-.Ltmp0, $4  }
0x16: {  	[tilespmem:s29+$0x11970] =	vst v0  }
0x17: {  	[tilespmem:s29+$0x11980] =	vst v0  }
0x18: {  	[tilespmem:s29+$0x11990] =	vst v0  }
0x19: {  	[tilespmem:s29+$0x119A0] =	vst v0;
	s29 =	sshra.s32 s30, $0x2;
	s30 =	sadd.s32 $0x200, s30  }
0x1a: {  	[tilespmem:s29+$0x119B0] =	vst v0  }
0x1b: {  	[tilespmem:s29+$0x11940] =	vst v0  }
0x1c: {  	[tilespmem:s29+$0x11950] =	vst v0  }
0x1d: {  	[tilespmem:s29+$0x11960] =	vst v0  }
0x1e: {  	[tilespmem:s29+$0x11970] =	vst v0  }
0x1f: {  	[tilespmem:s29+$0x11980] =	vst v0  }
0x20: {  	[tilespmem:s29+$0x11990] =	vst v0  }
0x21: {  	[tilespmem:s29+$0x119A0] =	vst v0  }
0x22: {  	[spmem:s5] =	stream.linear.scatter [tilespmem:s18], [sflag:$0x3], $0x2800, $0x38;
	[tilespmem:$0x16940] =	vst v63  }
0x23: {  	_ =	swait.ge [sflag:s19], $0x2800  }
0x24: {  	[sflag:s19] =	ssyncset.done $0x0  }
0x25: {  	[sflag:s19] =	ssyncadd.s32 $0xFFFFD800  }
0x26: {  	[bflag:$0x0] =	sbarrier.arrive $0xFFFF  }
0x27: {  	[tilespmem:s3], [sflag:$0x3] =	stream.linear.gather [hbm4b:s6+s3], $0x7D0, $0x38;
	[tilespmem:$0x16940] =	vst v63  }
0x28: {  	_ =	swait.ge [sflag:s19], $0x7D0  }
0x29: {  	[sflag:s19] =	ssyncset.done $0x0  }
0x2a: {  	[sflag:s19] =	ssyncadd.s32 $0xFFFFF830  }
0x2b: {  	[tilespmem:s20], [sflag:$0x3] =	stream.linear.gather [hbm4b:s7+s3], $0x7D0, $0x38;
	[tilespmem:$0x16940] =	vst v63  }
0x2c: {  	_ =	swait.ge [sflag:s19], $0x7D0  }
0x2d: {  	[sflag:s19] =	ssyncset.done $0x0  }
0x2e: {  	[sflag:s19] =	ssyncadd.s32 $0xFFFFF830  }
0x2f: {  	[tilespmem:s21], [sflag:$0x1] =	stream.indirect.gather [hbm4b:s4+s20], $0x10, s3, s20, $0xb8;
	[tilespmem:$0x16940] =	vst v63  }
0x30: {  	_ = 	snop  }
0x31: {  	[tilespmem:s22], [sflag:$0x3] =	stream.linear.gather [hbm4b:s8+s3], $0x7D0, $0x38;
	[tilespmem:$0x16940] =	vst v63  }
0x32: {  	_ =	swait.ge [sflag:s19], $0x7D0  }
0x33: {  	[sflag:s19] =	ssyncset.done $0x0  }
0x34: {  	[sflag:s19] =	ssyncadd.s32 $0xFFFFF830  }
0x35: {  	[tilespmem:s23], [sflag:$0x3] =	stream.linear.gather [hbm4b:s9+s3], $0x7D0, $0x38;
	[tilespmem:$0x16940] =	vst v63  }
0x36: {  	_ =	swait.ge [sflag:s19], $0x7D0  }
0x37: {  	[sflag:s19] =	ssyncset.done $0x0  }
0x38: {  	[sflag:s19] =	ssyncadd.s32 $0xFFFFF830  }
0x39: {  	[tilespmem:s24], [sflag:$0x2] =	stream.indirect.gather [hbm4b:s4+s20], $0x10, s22, s20, $0xb8;
	[tilespmem:$0x16940] =	vst v63  }
0x3a: {  	_ =	swait.ge [sflag:s25], $0x7D00  }
0x3b: {  	[sflag:s25] =	ssyncset.done $0x0  }
0x3c: {  	[sflag:s25] =	ssyncadd.s32 $0xFFFF8300  }
0x3d: {  	[spmem:s2] =	stream.indirect.scatter.add.f32 [tilespmem:s21], [sflag:$0x3], $0x10, s20, s20, $0xb8;
	[tilespmem:$0x16940] =	vst v63  }
0x3e: {  	_ =	swait.ge [sflag:s19], $0x7D00  }
0x3f: {  	[sflag:s19] =	ssyncset.done $0x0  }
0x40: {  	[sflag:s19] =	ssyncadd.s32 $0xFFFF8300  }
0x41: {  	[tilespmem:s3], [sflag:$0x3] =	stream.linear.gather [hbm4b:s10+s3], $0x7D0, $0x38;
	[tilespmem:$0x16940] =	vst v63  }
0x42: {  	_ =	swait.ge [sflag:s19], $0x7D0  }
0x43: {  	[sflag:s19] =	ssyncset.done $0x0  }
0x44: {  	[sflag:s19] =	ssyncadd.s32 $0xFFFFF830  }
0x45: {  	[tilespmem:s20], [sflag:$0x3] =	stream.linear.gather [hbm4b:s11+s3], $0x7D0, $0x38;
	[tilespmem:$0x16940] =	vst v63  }
0x46: {  	_ =	swait.ge [sflag:s19], $0x7D0  }
0x47: {  	[sflag:s19] =	ssyncset.done $0x0  }
0x48: {  	[sflag:s19] =	ssyncadd.s32 $0xFFFFF830  }
0x49: {  	[tilespmem:s21], [sflag:$0x1] =	stream.indirect.gather [hbm4b:s4+s20], $0x10, s3, s20, $0xb8;
	[tilespmem:$0x16940] =	vst v63  }
0x4a: {  	_ =	swait.ge [sflag:s26], $0x7D00  }
0x4b: {  	[sflag:s26] =	ssyncset.done $0x0  }
0x4c: {  	[sflag:s26] =	ssyncadd.s32 $0xFFFF8300  }
0x4d: {  	[spmem:s2] =	stream.indirect.scatter.add.f32 [tilespmem:s24], [sflag:$0x3], $0x10, s23, s20, $0xb8;
	[tilespmem:$0x16940] =	vst v63  }
0x4e: {  	_ =	swait.ge [sflag:s19], $0x7D00  }
0x4f: {  	[sflag:s19] =	ssyncset.done $0x0  }
0x50: {  	[sflag:s19] =	ssyncadd.s32 $0xFFFF8300  }
0x51: {  	[tilespmem:s22], [sflag:$0x3] =	stream.linear.gather [hbm4b:s12+s3], $0x7D0, $0x38;
	[tilespmem:$0x16940] =	vst v63  }
0x52: {  	_ =	swait.ge [sflag:s19], $0x7D0  }
0x53: {  	[sflag:s19] =	ssyncset.done $0x0  }
0x54: {  	[sflag:s19] =	ssyncadd.s32 $0xFFFFF830  }
0x55: {  	[tilespmem:s23], [sflag:$0x3] =	stream.linear.gather [hbm4b:s13+s3], $0x7D0, $0x38;
	[tilespmem:$0x16940] =	vst v63  }
0x56: {  	_ =	swait.ge [sflag:s19], $0x7D0  }
0x57: {  	[sflag:s19] =	ssyncset.done $0x0  }
0x58: {  	[sflag:s19] =	ssyncadd.s32 $0xFFFFF830  }
0x59: {  	[tilespmem:s24], [sflag:$0x2] =	stream.indirect.gather [hbm4b:s4+s20], $0x10, s22, s20, $0xb8;
	[tilespmem:$0x16940] =	vst v63  }
0x5a: {  	_ =	swait.ge [sflag:s25], $0x7D00  }
0x5b: {  	[sflag:s25] =	ssyncset.done $0x0  }
0x5c: {  	[sflag:s25] =	ssyncadd.s32 $0xFFFF8300  }
0x5d: {  	[spmem:s2] =	stream.indirect.scatter.add.f32 [tilespmem:s21], [sflag:$0x3], $0x10, s20, s20, $0xb8;
	[tilespmem:$0x16940] =	vst v63  }
0x5e: {  	_ =	swait.ge [sflag:s19], $0x7D00  }
0x5f: {  	[sflag:s19] =	ssyncset.done $0x0  }
0x60: {  	[sflag:s19] =	ssyncadd.s32 $0xFFFF8300  }
0x61: {  	[tilespmem:s3], [sflag:$0x3] =	stream.linear.gather [hbm4b:s14+s3], $0x7D0, $0x38;
	[tilespmem:$0x16940] =	vst v63  }
0x62: {  	_ =	swait.ge [sflag:s19], $0x7D0  }
0x63: {  	[sflag:s19] =	ssyncset.done $0x0  }
0x64: {  	[sflag:s19] =	ssyncadd.s32 $0xFFFFF830  }
0x65: {  	[tilespmem:s20], [sflag:$0x3] =	stream.linear.gather [hbm4b:s15+s3], $0x7D0, $0x38;
	[tilespmem:$0x16940] =	vst v63  }
0x66: {  	_ =	swait.ge [sflag:s19], $0x7D0  }
0x67: {  	[sflag:s19] =	ssyncset.done $0x0  }
0x68: {  	[sflag:s19] =	ssyncadd.s32 $0xFFFFF830  }
0x69: {  	[tilespmem:s21], [sflag:$0x1] =	stream.indirect.gather [hbm4b:s4+s20], $0x10, s3, s20, $0xb8;
	[tilespmem:$0x16940] =	vst v63  }
0x6a: {  	_ =	swait.ge [sflag:s26], $0x7D00  }
0x6b: {  	[sflag:s26] =	ssyncset.done $0x0  }
0x6c: {  	[sflag:s26] =	ssyncadd.s32 $0xFFFF8300  }
0x6d: {  	[spmem:s2] =	stream.indirect.scatter.add.f32 [tilespmem:s24], [sflag:$0x3], $0x10, s23, s20, $0xb8;
	[tilespmem:$0x16940] =	vst v63  }
0x6e: {  	_ =	swait.ge [sflag:s19], $0x7D00  }
0x6f: {  	[sflag:s19] =	ssyncset.done $0x0  }
0x70: {  	[sflag:s19] =	ssyncadd.s32 $0xFFFF8300  }
0x71: {  	_ =	swait.ge [sflag:s25], $0x7D00  }
0x72: {  	[sflag:s25] =	ssyncset.done $0x0  }
0x73: {  	[sflag:s25] =	ssyncadd.s32 $0xFFFF8300  }
0x74: {  	[spmem:s2] =	stream.indirect.scatter.add.f32 [tilespmem:s21], [sflag:$0x3], $0x10, s20, s20, $0xb8;
	[tilespmem:$0x16940] =	vst v63  }
0x75: {  	_ =	swait.ge [sflag:s19], $0x7D00  }
0x76: {  	s31 =	sshll.u32 s1, $0x6;
	s28 =	sadd.s32 $0x1, s28;
	[sflag:s19] =	ssyncset.done $0x0  }
0x77: {  	s30 =	sshrl.u32 s5, $0x3;
	p0 =	sne.s32 s28, s17;
	[sflag:s19] =	ssyncadd.s32 $0xFFFF8300  }
.Ltmp1:
0x78: {  	s29 =	sor.u32 $0x1C03, s31;
	[bflag:$0x0] =	sbarrier.arrive $0xFFFF;
	(pc) =	sbr.rel @p0 .LBB2_1-.Ltmp1, $4  }
0x79: {  	[hbm:s16], [sflag:s29] =	dma.local [spmem:s30], $0x500  }
0x7a: {  	_ =	swait.ge [sflag:s19], $0x500  }
0x7b: {  	[sflag:s19] =	ssyncset.done $0x0  }
0x7c: {  	[sflag:s19] =	ssyncadd.s32 $0xFFFFFB00  }
0x7d: {  	_ =	sfence.sel $0x180000  }
0x7e: {  	[bflag:$0x0] =	sbarrier.arrive $0xFFFF  }
0x7f: {  	p0 =	sne.s32 s1, $0x0;
	_ =	strace $0x9000004D  }
0x80: {  	s0 =	sadd.s32 @!p0 $0x100000, s0;
	[bflag:$0x2] =	sbarrier.arrive $0xFFFF  }
0x81: {  	[sflag:s0] =	ssyncadd.tile.s32 @!p0 $0x1;
	_ =	shalt  }
.Lfunc_end2:
_tile_overlayer_lowered:
.L_overlay_start_2:
0x82: {  	(tag) =	ssettag $0x2  }
0x83: {  	s0 =	rddreg [dreg:$0x0];
	s2 =	stileid.u32  }
0x84: {  	s1 =	rddreg [dreg:$0x1];
	p0 =	sne.s32 s2, $0x0  }
0x85: {  	s3 =	rddreg [dreg:$0x2];
	[bflag:$0x3] =	sbarrier.arrive $0xFFFF;
	s2 =	simm.s32 @!p0 $0x1C03  }
0x86: {  	[timem:s3], [sflag:s2] =	dma.local @!p0 [hbm:s0], s1  }
0x87: {  	s0 =	simm.s32 @!p0 $0x3  }
0x88: {  	_ =	swait.ge @!p0 [sflag:s0], s1  }
0x89: {  	s1 =	ssub.s32 @!p0 $0x0, s1;
	[sflag:s0] =	ssyncset.done @!p0 $0x0  }
0x8a: {  	[sflag:s0] =	ssyncadd.s32 @!p0 s1  }
0x8b: {  	[bflag:$0x3] =	sbarrier.arrive $0xFFFF  }
0x8c: {  	_ =	shalt  }

// kernel: kernel.8.cloned.1.call-start
scs
__scs_entry_jumppad:
0x0: {  	(pc) =	sbr.rel $0x88, $3  }
0x1: {  	(tag) =	ssettag $0x0;
	lr =	simm.s32 $0x1  }
0x2: {  	[smem:$0x3F9B] =	sst lr;
	_ =	strace $0xD0000000  }
0x3: {  	_ = 	snop  }
0x4: {  	_ = 	snop  }
0x5: {  	_ = 	snop  }
0x6: {  	_ = 	snop  }
0x7: {  	_ = 	snop  }
__scs_overlays_trampoline_lowered:
0x8: {  	[smem:$0x3FAA] =	sst s0  }
0x9: {  	[smem:$0x3FAB] =	sst s1  }
0xa: {  	[smem:$0x3FAC] =	sst s2  }
0xb: {  	[smem:$0x3FAD] =	sst s3  }
0xc: {  	[smem:$0x3FAE] =	sst s4  }
0xd: {  	[smem:$0x3FAF] =	sst s5  }
0xe: {  	[smem:$0x3FB0] =	sst s6  }
0xf: {  	[smem:$0x3FB1] =	sst s7  }
0x10: {  	[smem:$0x3FB2] =	sst s8  }
0x11: {  	[smem:$0x3FB3] =	sst s9;
	s0 =	simm.s32 @!p0 $0x0  }
0x12: {  	s1 =	sld [smem:$0x3F99];
	s0 =	simm.s32 @p0 $0x1  }
0x13: {  	[smem:$0x3FB4] =	sst s0;
	s0 =	simm.s32 @!p1 $0x0  }
0x14: {  	s2 =	sld [smem:$0x3F98];
	s0 =	simm.s32 @p1 $0x1  }
0x15: {  	[smem:$0x3FB5] =	sst s0;
	s0 =	simm.s32 @!p2 $0x0  }
0x16: {  	s3 =	sld [smem:$0x3FDB];
	s0 =	simm.s32 @p2 $0x1  }
0x17: {  	s4 =	simm.s32 $0x1BF5;
	[smem:$0x3FB7] =	sst s0  }
0x18: {  	s0 =	sld [smem:$0x3F9A];
	_ =	swait.ge [sflag:s4], $0x0  }
0x19: {  	s7 =	sld [smem:$0x3F9B]  }
0x1a: {  	s8 =	sadd.s32 $0xFFFFE003, lr  }
0x1b: {  	s9 =	sadd.s32 $0xFFFFFEF7, lr;
	s5 =	simm.s32 $0xFFFFFFFF;
	p2 =	slt.u32 s8, $0xFFFFF086  }
0x1c: {  	p1 =	slt.u32 s9, $0xF7A;
	s5 =	simm.s32 @!p2 $0x0  }
0x1d: {  	s5 =	simm.s32 @p1 $0x1;
	p0 =	seq.s32 s7, s2  }
0x1e: {  	s7 =	smul.u32 @!p0 $0xF7A, s2;
	p2 =	seq.s32 @!p0 s5, $0x0  }
0x1f: {  	s9 =	smul.u32 $0xF7A, s1;
	s8 =	simm.s32 @!p0 $0x1BF5;
	p2 =	por !p2, p0  }
0x20: {  	[sflag:s8] =	ssyncset.s32 @!p0 $0xFFFFF086;
	s6 =	sadd.s32 @!p0 s3, s7;
	s7 =	simm.s32 @!p0 $0x108  }
0x21: {  	s3 =	sadd.s32 s3, s9;
	s6 =	sadd.s32 @!p0 $0x88, s6;
	s7 =	simm.s32 @p2 $0x1082  }
0x22: {  	[simem:s7], [sflag:s8] =	dma.local @!p0 [hbm:s6], $0xF7A  }
0x23: {  	s9 =	sor.u32 $0xD0000000, s2;
	s6 =	simm.s32 $0x108;
	_ =	swait.ge @!p0 [sflag:s8], $0x0  }
0x24: {  	s3 =	sadd.s32 $0x88, s3;
	s6 =	simm.s32 @!p1 $0x1082;
	[sflag:s4] =	ssyncset.s32 $0xFFFFF086  }
0x25: {  	[simem:s6], [sflag:s4] =	dma.local [hbm:s3], $0xF7A  }
0x26: {  	[smem:$0x3F9B] =	sst s1;
	(tag) =	ssettag s2;
	_ =	strace s9  }
0x27: {  	s1 =	sld [smem:$0x3FAB]  }
0x28: {  	s2 =	sld [smem:$0x3FAC]  }
0x29: {  	s4 =	sld [smem:$0x3FAE]  }
0x2a: {  	p0 =	seq.s32 s5, $0x0;
	s5 =	sld [smem:$0x3FAF]  }
0x2b: {  	s6 =	sld [smem:$0x3FB0]  }
0x2c: {  	s7 =	sld [smem:$0x3FB1]  }
0x2d: {  	s3 =	simm.s32 $0x108;
	s8 =	sld [smem:$0x3FB2]  }
0x2e: {  	s3 =	simm.s32 @!p0 $0x1082;
	s9 =	sld [smem:$0x3FB3]  }
0x2f: {  	lr =	sadd.s32 s0, s3;
	s0 =	sld [smem:$0x3FAA]  }
0x30: {  	s3 =	sld [smem:$0x3FAD]  }
0x31: {  	[smem:$0x3FB6] =	sst s10  }
0x32: {  	s10 =	sld [smem:$0x3FB4];
	_ =	sdelay $0x3  }
0x33: {  	p0 =	seq.s32 s10, $0x1;
	s10 =	sld [smem:$0x3FB6];
	_ =	sdelay $0x3  }
0x34: {  	[smem:$0x3FB6] =	sst s10  }
0x35: {  	s10 =	sld [smem:$0x3FB5];
	_ =	sdelay $0x3  }
0x36: {  	p1 =	seq.s32 s10, $0x1;
	s10 =	sld [smem:$0x3FB6];
	_ =	sdelay $0x3  }
0x37: {  	[smem:$0x3FB6] =	sst s10  }
0x38: {  	s10 =	sld [smem:$0x3FB7]  }
0x39: {  	_ = 	snop;
	(pc) =	sbr.ind lr, $3  }
0x3a: {  	_ = 	snop  }
0x3b: {  	_ = 	snop  }
0x3c: {  	p2 =	seq.s32 s10, $0x1;
	s10 =	sld [smem:$0x3FB6]  }
0x3d: {  	_ =	shalt  }
0x3e: {  	_ =	shalt  }
0x3f: {  	_ =	shalt  }
0x40: {  	_ =	shalt  }
0x41: {  	_ =	shalt  }
0x42: {  	_ =	shalt  }
0x43: {  	_ =	shalt  }
0x44: {  	_ =	shalt  }
0x45: {  	_ =	shalt  }
0x46: {  	_ =	shalt  }
0x47: {  	_ =	shalt  }
0x48: {  	_ =	shalt  }
0x49: {  	_ =	shalt  }
0x4a: {  	_ =	shalt  }
0x4b: {  	_ =	shalt  }
0x4c: {  	_ =	shalt  }
0x4d: {  	_ =	shalt  }
0x4e: {  	_ =	shalt  }
0x4f: {  	_ =	shalt  }
0x50: {  	_ =	shalt  }
0x51: {  	_ =	shalt  }
0x52: {  	_ =	shalt  }
0x53: {  	_ =	shalt  }
0x54: {  	_ =	shalt  }
0x55: {  	_ =	shalt  }
0x56: {  	_ =	shalt  }
0x57: {  	_ =	shalt  }
0x58: {  	_ =	shalt  }
0x59: {  	_ =	shalt  }
0x5a: {  	_ =	shalt  }
0x5b: {  	_ =	shalt  }
0x5c: {  	_ =	shalt  }
0x5d: {  	_ =	shalt  }
0x5e: {  	_ =	shalt  }
0x5f: {  	_ =	shalt  }
0x60: {  	_ =	shalt  }
0x61: {  	_ =	shalt  }
0x62: {  	_ =	shalt  }
0x63: {  	_ =	shalt  }
0x64: {  	_ =	shalt  }
0x65: {  	_ =	shalt  }
0x66: {  	_ =	shalt  }
0x67: {  	_ =	shalt  }
0x68: {  	_ =	shalt  }
0x69: {  	_ =	shalt  }
0x6a: {  	_ =	shalt  }
0x6b: {  	_ =	shalt  }
0x6c: {  	_ =	shalt  }
0x6d: {  	_ =	shalt  }
0x6e: {  	_ =	shalt  }
0x6f: {  	_ =	shalt  }
0x70: {  	_ =	shalt  }
0x71: {  	_ =	shalt  }
0x72: {  	_ =	shalt  }
0x73: {  	_ =	shalt  }
0x74: {  	_ =	shalt  }
0x75: {  	_ =	shalt  }
0x76: {  	_ =	shalt  }
0x77: {  	_ =	shalt  }
0x78: {  	_ =	shalt  }
0x79: {  	_ =	shalt  }
0x7a: {  	_ =	shalt  }
0x7b: {  	_ =	shalt  }
0x7c: {  	_ =	shalt  }
0x7d: {  	_ =	shalt  }
0x7e: {  	_ =	shalt  }
0x7f: {  	_ =	shalt  }
0x80: {  	_ =	shalt  }
0x81: {  	_ =	shalt  }
0x82: {  	_ =	shalt  }
0x83: {  	_ =	shalt  }
0x84: {  	_ =	shalt  }
0x85: {  	_ =	shalt  }
0x86: {  	_ =	shalt  }
0x87: {  	_ =	shalt  }
.Lfunc_end0:
.L_simem_size_0:
called_computation_lowered:
.L_overlay_start_0:
0x88: {  	s2 =	sld [smem:$0x3FD9]  }
0x89: {  	s3 =	sld [smem:$0x3FFE];
	_ =	sdelay $0x1  }
0x8a: {  	s1 =	srdreg.scid  }
0x8b: {  	s0 =	sand.u32 $0x1, s1  }
0x8c: {  	s16 =	sshll.u32 s0, $0xA;
	s2 =	sadd.s32 s3, s2  }
0x8d: {  	s2 =	sadd.s32 s2, s16  }
0x8e: {  	[smem:$0x3FC2] =	sst s2  }
0x8f: {  	_ = 	snop  }
0x90: {  	(tm) =	ssettm $0x1  }
0x91: {  	s17 =	sld [smem:$0x3FFB];
	_ =	sdelay $0x3  }
0x92: {  	_ =	strace s17  }
0x93: {  	s2 =	sld [smem:$0x3FFC];
	_ =	sdelay $0x3  }
0x94: {  	_ =	strace s2  }
0x95: {  	s2 =	sld [smem:$0x3FFD];
	_ =	sdelay $0x3  }
0x96: {  	_ =	strace s2  }
0x97: {  	_ =	strace $0x8FFFFFFF  }
0x98: {  	s18 =	sld [smem:$0x3FDB];
	_ =	sdelay $0x1  }
0x99: {  	s19 =	simm.s32 $_scs_section_size  }
0x9a: {  	s4 =	simm.s32 $_size__tile_overlayer_lowered;
	s5 =	simm.s32 $_tile_overlayer_lowered  }
0x9b: {  	s22 =	simm.s32 $0x1BFF;
	s21 =	sshll.u32 s5, $0x1;
	s2 =	sadd.s32 s19, s18  }
0x9c: {  	s6 =	simm.s32 $0x0;
	s20 =	sshll.u32 s4, $0x1;
	s4 =	sadd.s32 s21, s2  }
0x9d: {  	[timem:s6], [sflag:s22] =	dma.local [hbm:s4], s20  }
0x9e: {  	_ =	swait.ge [sflag:s22], s20  }
0x9f: {  	s3 =	ssub.s32 $0x0, s20;
	[sflag:s22] =	ssyncset.done $0x0  }
0xa0: {  	[sflag:s22] =	ssyncadd.s32 s3;
	_ =	sdelay $0x1  }
0xa1: {  	s23 =	simm.s32 $0x1B8B  }
0xa2: {  	_ =	swait.ge [sflag:s23], $0x1  }
0xa3: {  	[sflag:s23] =	ssyncset.done $0x0  }
0xa4: {  	s25 =	simm.s32 $0x1B8E;
	s24 =	sld [smem:$0x3FFE];
	[sflag:s23] =	ssyncadd.s32 $0xFFFFFFFF  }
0xa5: {  	s26 =	simm.s32 $execute0_lowered;
	[smem:$0x3FD2] =	sst s25  }
0xa6: {  	s4 =	sshll.u32 s26, $0x1;
	_ =	strace $0x80000046;
	[dreg:$0x1] =	wrdreg $0xFFFFFFFF  }
0xa7: {  	s28 =	simm.s32 $_size_execute0_lowered;
	s2 =	sadd.s32 s2, s4;
	[dreg:$0x0] =	wrdreg $0x0  }
0xa8: {  	s4 =	sshll.u32 s28, $0x1;
	[dreg:$0x2] =	wrdreg s2  }
0xa9: {  	[dreg:$0x3] =	wrdreg s4  }
0xaa: {  	[dreg:$0x4] =	wrdreg $0xC0  }
0xab: {  	_ =	task [dreg:s6], $0x5FFFF  }
0xac: {  	[dreg:$0x1] =	wrdreg $0xFFFFFFFF  }
0xad: {  	[dreg:$0x0] =	wrdreg $0x60  }
0xae: {  	[dreg:$0x2] =	wrdreg s24  }
0xaf: {  	[dreg:$0x3] =	wrdreg $0xA0A00  }
0xb0: {  	[dreg:$0x4] =	wrdreg $0x9  }
0xb1: {  	_ =	task.clear_ibuf [dreg:s6], $0x5FFFF;
	_ =	strace $0x90000046  }
0xb2: {  	s29 =	simm.s32 $0x9;
	_ =	strace $0x80000048  }
0xb3: {  	_ =	swait.ge [sflag:s29], $0x1  }
0xb4: {  	[sflag:s29] =	ssyncadd.s32 $0xFFFFFFFF  }
0xb5: {  	_ =	strace $0x90000048  }
0xb6: {  	_ =	sfence  }
0xb7: {  	s30 =	sld [smem:$0x0];
	_ =	sdelay $0x2  }
0xb8: {  	s31 =	sshll.u32 s1, $0xD;
	s1 =	sshrl.u32 s1, $0x2  }
0xb9: {  	s3 =	sand.u32 $0x4000, s31;
	s1 =	sadd.s32 s1, s30  }
0xba: {  	s0 =	sor.u32 s3, s0;
	s1 =	sshll.u32 s1, $0x11  }
0xbb: {  	s0 =	sor.u32 s1, s0  }
0xbc: {  	s0 =	sadd.s32 $0x8F2B, s0  }
0xbd: {  	[sflag:s0] =	ssyncadd.remote.s32 $0x1  }
0xbe: {  	_ =	sfence.sel $0xFFFF  }
0xbf: {  	[dreg:$0x0] =	wrdreg $0xFFFFFFFF;
	(pc) =	sbr.abs _section_cstart, $3  }
0xc0: {  	[dreg:$0x1] =	wrdreg $0xFFFFFFFF  }
0xc1: {  	_ =	task.clear_ibuf [dreg:s6], $0x2FFFF;
	_ =	strace $0x9FFFFFFF  }
0xc2: {  	(tm) =	ssettm $0x7FFFFFFF  }
0xc3: {  	_ =	shalt  }
tec
execute0_lowered:
.L_overlay_start_1:
0x0: {  	(tag) =	ssettag $0x1  }
0x1: {  	s5 =	rddreg [dreg:$0x0]  }
0x2: {  	s2 =	rddreg [dreg:$0x1]  }
0x3: {  	s0 =	srdreg.scid;
	s1 =	rddreg [dreg:$0x2];
	s3 =	simm.s32 $0x0  }
0x4: {  	s11 =	simm.s32 $0x1;
	s12 =	simm.s32 $0x2710;
	s13 =	simm.s32 $0x2800  }
0x5: {  	s14 =	simm.s32 $0x50A0;
	s15 =	simm.s32 $0x78A0;
	s4 =	sand.u32 $0x1, s0  }
0x6: {  	s16 =	simm.s32 $0x0;
	s0 =	stileid.u32;
	s6 =	smul.u32 $0x28000, s4  }
0x7: {  	[smem:$0x7FF] =	sst s3;
	s7 =	smul.u32 $0x2800, s0;
	s8 =	sshll.u32 s4, $0x4  }
0x8: {  	s31 =	ssub.s32 $0x2, s4;
	s4 =	smul.u32 $0x280, s0;
	s8 =	sor.u32 s0, s8  }
0x9: {  	_ =	strace $0x80000047;
	s9 =	sshrl.u32 s31, $0x1;
	s30 =	smul.u32 $0x2710, s8  }
0xa: {  	s6 =	sadd.s32 s7, s6;
	s8 =	ssub.s32 s31, s9;
	s9 =	simm.s32 $0x4E20  }
0xb: {  	s6 =	sshrl.u32 s6, $0x3;
	s8 =	smax.u32 s8, $0x1;
	s7 =	sshrl.u32 s30, $0x3  }
0xc: {  	s10 =	sadd.s32 s6, s5;
	s6 =	sadd.s32 s4, s2;
	s5 =	sadd.s32 s5, s7  }
0xd: {  	v0 =	vimm.f32 $0.0e+00;
	v1 =	vimm.f32 $1.000000000e+00;
	s7 =	sadd.s32 $0x16600, s10;
	s10 =	simm.s32 $0x2;
	s5 =	sadd.s32 $0xC840, s5  }
.LBB2_1:
0xe: {  	[tilespmem:s3], [sflag:$0x1] =	stream.linear.gather [hbm4b:s5+s3], $0x2710, $0x38;
	[tilespmem:$0xA320] =	vst v63  }
0xf: {  	[tilespmem:$0x4E20] =	vst v0  }
0x10: {  	[tilespmem:$0x4E30] =	vst v0  }
0x11: {  	[tilespmem:$0x4E40] =	vst v0  }
0x12: {  	[tilespmem:$0x4E50] =	vst v0  }
0x13: {  	[tilespmem:$0x4E60] =	vst v0  }
0x14: {  	[tilespmem:$0x4E70] =	vst v0  }
0x15: {  	[tilespmem:$0x4E80] =	vst v0  }
0x16: {  	[tilespmem:$0x4E90] =	vst v0  }
0x17: {  	[tilespmem:$0x4EA0] =	vst v0  }
0x18: {  	[tilespmem:$0x4EB0] =	vst v0  }
0x19: {  	[tilespmem:$0x4EC0] =	vst v0  }
0x1a: {  	[tilespmem:$0x4ED0] =	vst v0  }
0x1b: {  	[tilespmem:$0x4EE0] =	vst v0  }
0x1c: {  	[tilespmem:$0x4EF0] =	vst v0  }
0x1d: {  	[tilespmem:$0x4F00] =	vst v0  }
0x1e: {  	[tilespmem:$0x4F10] =	vst v0  }
0x1f: {  	[tilespmem:$0x4F20] =	vst v0  }
0x20: {  	[tilespmem:$0x4F30] =	vst v0  }
0x21: {  	[tilespmem:$0x4F40] =	vst v0  }
0x22: {  	[tilespmem:$0x4F50] =	vst v0  }
0x23: {  	[tilespmem:$0x4F60] =	vst v0  }
0x24: {  	[tilespmem:$0x4F70] =	vst v0  }
0x25: {  	[tilespmem:$0x4F80] =	vst v0  }
0x26: {  	[tilespmem:$0x4F90] =	vst v0  }
0x27: {  	[tilespmem:$0x4FA0] =	vst v0  }
0x28: {  	[tilespmem:$0x4FB0] =	vst v0  }
0x29: {  	[tilespmem:$0x4FC0] =	vst v0  }
0x2a: {  	[tilespmem:$0x4FD0] =	vst v0  }
0x2b: {  	[tilespmem:$0x4FE0] =	vst v0  }
0x2c: {  	[tilespmem:$0x4FF0] =	vst v0  }
0x2d: {  	[tilespmem:$0x5000] =	vst v0  }
0x2e: {  	[tilespmem:$0x5010] =	vst v0  }
0x2f: {  	[tilespmem:$0x5020] =	vst v0  }
0x30: {  	[tilespmem:$0x5030] =	vst v0  }
0x31: {  	[tilespmem:$0x5040] =	vst v0  }
0x32: {  	[tilespmem:$0x5050] =	vst v0  }
0x33: {  	[tilespmem:$0x5060] =	vst v0  }
0x34: {  	[tilespmem:$0x5070] =	vst v0  }
0x35: {  	[tilespmem:$0x5080] =	vst v0  }
0x36: {  	s17 =	simm.s32 $0x0;
	s18 =	simm.s32 $0x200;
	[tilespmem:$0x5090] =	vst v0  }
.LBB2_2:
0x37: {  	p0 =	sne.s32 s18, $0x9A00;
	[tilespmem:s17+$0x2780] =	vst v1  }
0x38: {  	[tilespmem:s17+$0x2710] =	vst v1  }
0x39: {  	[tilespmem:s17+$0x2720] =	vst v1  }
.Ltmp0:
0x3a: {  	[tilespmem:s17+$0x2730] =	vst v1;
	(pc) =	sbr.rel @p0 .LBB2_2-.Ltmp0, $4  }
0x3b: {  	[tilespmem:s17+$0x2740] =	vst v1  }
0x3c: {  	[tilespmem:s17+$0x2750] =	vst v1  }
0x3d: {  	[tilespmem:s17+$0x2760] =	vst v1  }
0x3e: {  	[tilespmem:s17+$0x2770] =	vst v1;
	s17 =	sshra.s32 s18, $0x2;
	s18 =	sadd.s32 $0x200, s18  }
0x3f: {  	[tilespmem:s17+$0x2780] =	vst v1  }
0x40: {  	[tilespmem:s17+$0x2710] =	vst v1  }
0x41: {  	[tilespmem:s17+$0x2720] =	vst v1  }
0x42: {  	[tilespmem:s17+$0x2730] =	vst v1  }
0x43: {  	[tilespmem:s17+$0x2740] =	vst v1  }
0x44: {  	[tilespmem:s17+$0x2750] =	vst v1  }
0x45: {  	[tilespmem:s17+$0x2760] =	vst v1;
	s18 =	sadd.s32 $0x0, s4  }
0x46: {  	[tilespmem:s17+$0x2770] =	vst v1;
	s19 =	sadd.s32 $0x7, s18  }
0x47: {  	s17 =	simm.s32 $0x50E0;
	[tilespmem:$0x4E10] =	vst v1;
	s20 =	sadd.s32 $0x1, s18;
	v2 =	vmov s19  }
0x48: {  	s30 =	sadd.s32 $0x5, s18;
	v3 =	vmov s20;
	[tilespmem:s17+$0x30] =	vst v2  }
0x49: {  	s26 =	sadd.s32 $0x2, s18;
	v4 =	vmov s30;
	[tilespmem:s17+$0xFFFFFFD0] =	vst v3  }
0x4a: {  	s28 =	sadd.s32 $0x3, s18;
	v2 =	vmov s26;
	[tilespmem:s17+$0x10] =	vst v4  }
0x4b: {  	s29 =	sadd.s32 $0x4, s18;
	v3 =	vmov s28;
	[tilespmem:s17+$0xFFFFFFE0] =	vst v2  }
0x4c: {  	s31 =	sadd.s32 $0x6, s18;
	v2 =	vmov s29;
	[tilespmem:s17+$0xFFFFFFF0] =	vst v3  }
0x4d: {  	s19 =	simm.s32 $0x10;
	v3 =	vmov s31;
	[tilespmem:s17+$0x0] =	vst v2;
	v2 =	vmov s18;
	s18 =	sadd.s32 $0x8, s4  }
.LBB2_4:
0x4e: {  	p0 =	sne.s32 s19, $0x278;
	v4 =	vmov s18;
	s20 =	sadd.s32 $0x1, s18;
	s21 =	sadd.s32 $0x7, s18;
	[tilespmem:s17+$0x20] =	vst v3  }
0x4f: {  	s22 =	sadd.s32 $0x3, s18;
	v3 =	vmov s20;
	s20 =	sadd.s32 $0x2, s18;
	v5 =	vmov s21;
	[tilespmem:s17+$0xFFFFFFC0] =	vst v2;
	s17 =	sadd.s32 $0x80, s17;
	v2 =	vmov v4  }
0x50: {  	v6 =	vmov s22;
	s21 =	sadd.s32 $0x5, s18;
	v4 =	vmov s20;
	s20 =	sadd.s32 $0x4, s18;
	s18 =	sadd.s32 $0x6, s18;
	[tilespmem:s17+$0x30] =	vst v5  }
.Ltmp1:
0x51: {  	v7 =	vmov s21;
	[tilespmem:s17+$0xFFFFFFD0] =	vst v3;
	v5 =	vmov s20;
	v3 =	vmov s18;
	(pc) =	sbr.rel @p0 .LBB2_4-.Ltmp1, $4  }
0x52: {  	[tilespmem:s17+$0xFFFFFFE0] =	vst v4  }
0x53: {  	[tilespmem:s17+$0xFFFFFFF0] =	vst v6  }
0x54: {  	[tilespmem:s17+$0x0] =	vst v5  }
0x55: {  	s18 =	sadd.s32 s19, s4;
	s19 =	sadd.s32 $0x8, s19;
	[tilespmem:s17+$0x10] =	vst v7  }
0x56: {  	s19 =	sadd.s32 $0x7, s18;
	[tilespmem:s17+$0x20] =	vst v3  }
0x57: {  	s20 =	sadd.s32 $0x1, s18;
	[tilespmem:s17+$0xFFFFFFC0] =	vst v2;
	s25 =	sadd.s32 $0x80, s17;
	v3 =	vmov s19  }
0x58: {  	s26 =	sadd.s32 $0x2, s18;
	v2 =	vmov s20;
	[tilespmem:s25+$0x30] =	vst v3  }
0x59: {  	s28 =	sadd.s32 $0x3, s18;
	v3 =	vmov s26;
	[tilespmem:s25+$0xFFFFFFD0] =	vst v2  }
0x5a: {  	s29 =	sadd.s32 $0x4, s18;
	v2 =	vmov s28;
	[tilespmem:s25+$0xFFFFFFE0] =	vst v3  }
0x5b: {  	s30 =	sadd.s32 $0x5, s18;
	v3 =	vmov s29;
	[tilespmem:s25+$0xFFFFFFF0] =	vst v2  }
0x5c: {  	s31 =	sadd.s32 $0x6, s18;
	v2 =	vmov s30;
	[tilespmem:s25+$0x0] =	vst v3  }
0x5d: {  	v3 =	vmov s31;
	[tilespmem:s25+$0x10] =	vst v2  }
0x5e: {  	v2 =	vmov s18;
	[tilespmem:s25+$0x20] =	vst v3  }
0x5f: {  	[tilespmem:s25+$0xFFFFFFC0] =	vst v2  }
0x60: {  	[spmem:s6] =	stream.linear.scatter [tilespmem:s9], [sflag:$0x2], $0x280, $0x38;
	[tilespmem:$0xA320] =	vst v63  }
0x61: {  	_ =	swait.ge [sflag:s10], $0x280  }
0x62: {  	[sflag:s10] =	ssyncset.done $0x0  }
0x63: {  	[sflag:s10] =	ssyncadd.s32 $0xFFFFFD80  }
0x64: {  	_ =	swait.ge [sflag:s11], $0x2710  }
0x65: {  	[sflag:s11] =	ssyncset.done $0x0  }
0x66: {  	[sflag:s11] =	ssyncadd.s32 $0xFFFFD8F0  }
0x67: {  	[bflag:$0x0] =	sbarrier.arrive $0xFFFF  }
0x68: {  	[spmem:s2] =	stream.indirect.scatter.add.f32 [tilespmem:s12], [sflag:$0x2], $0x1, s3, s12, $0xb8;
	[tilespmem:$0xA320] =	vst v63  }
0x69: {  	_ =	swait.ge [sflag:s10], $0x2710  }
0x6a: {  	[sflag:s10] =	ssyncset.done $0x0  }
0x6b: {  	[sflag:s10] =	ssyncadd.s32 $0xFFFFD8F0  }
0x6c: {  	[bflag:$0x0] =	sbarrier.arrive $0xFFFF  }
0x6d: {  	[tilespmem:s15], [sflag:$0x1] =	stream.indirect.gather [spmem:s2], $0x1, s14, s13, $0xb8;
	[tilespmem:$0xA320] =	vst v63  }
0x6e: {  	s16 =	sadd.s32 $0x1, s16;
	_ =	swait.ge [sflag:s11], $0x2800  }
0x6f: {  	p0 =	sne.s32 s16, s8;
	[sflag:s11] =	ssyncset.done $0x0  }
.Ltmp2:
0x70: {  	[sflag:s11] =	ssyncadd.s32 $0xFFFFD800;
	(pc) =	sbr.rel @p0 .LBB2_1-.Ltmp2, $4  }
0x71: {  	[hbm4b:s7+s3] =	stream.linear.scatter [tilespmem:s15], [sflag:$0x2], $0x2800, $0x38;
	[tilespmem:$0xA320] =	vst v63  }
0x72: {  	_ =	swait.ge [sflag:s10], $0x2800  }
0x73: {  	[sflag:s10] =	ssyncset.done $0x0  }
0x74: {  	[sflag:s10] =	ssyncadd.s32 $0xFFFFD800  }
0x75: {  	_ =	sfence.sel $0x180000  }
0x76: {  	[bflag:$0x0] =	sbarrier.arrive $0xFFFF  }
0x77: {  	p0 =	sne.s32 s0, $0x0;
	_ =	strace $0x90000047  }
0x78: {  	s0 =	sadd.s32 @!p0 $0x100000, s1;
	[bflag:$0x2] =	sbarrier.arrive $0xFFFF  }
0x79: {  	[sflag:s0] =	ssyncadd.tile.s32 @!p0 $0x1;
	_ =	shalt  }
.Lfunc_end2:
_tile_overlayer_lowered:
.L_overlay_start_2:
0x7a: {  	(tag) =	ssettag $0x2  }
0x7b: {  	s0 =	rddreg [dreg:$0x0];
	s2 =	stileid.u32  }
0x7c: {  	s1 =	rddreg [dreg:$0x1];
	p0 =	sne.s32 s2, $0x0  }
0x7d: {  	s3 =	rddreg [dreg:$0x2];
	[bflag:$0x3] =	sbarrier.arrive $0xFFFF;
	s2 =	simm.s32 @!p0 $0x1C02  }
0x7e: {  	[timem:s3], [sflag:s2] =	dma.local @!p0 [hbm:s0], s1  }
0x7f: {  	s0 =	simm.s32 @!p0 $0x2  }
0x80: {  	_ =	swait.ge @!p0 [sflag:s0], s1  }
0x81: {  	s1 =	ssub.s32 @!p0 $0x0, s1;
	[sflag:s0] =	ssyncset.done @!p0 $0x0  }
0x82: {  	[sflag:s0] =	ssyncadd.s32 @!p0 s1  }
0x83: {  	[bflag:$0x3] =	sbarrier.arrive $0xFFFF  }
0x84: {  	_ =	shalt  }

</sc_bundles>
